<compile_context>
chip_gen: v7x
topology: tpu7x:2x2x1
jax: 0.10.2.dev20260603
libtpu: 0.0.44.dev20260713+nightly
codegen_flags: <defaults>
</compile_context>

<pallas_src>
import functools

import jax
import jax.numpy as jnp
from jax import lax
from jax.experimental import pallas as pl
from jax.experimental.pallas import tpu as pltpu, tpu_sc as plsc


def _make_sc_gather(V, D, B):
    info = plsc.get_sparse_core_info()
    L = info.num_lanes
    NW = info.num_cores * info.num_subcores
    assert B % (8 * NW) == 0 and D % L == 0
    b_per_w = B // NW
    NB = 6
    HC = b_per_w // 2
    mesh = plsc.VectorSubcoreMesh(core_axis_name="c", subcore_axis_name="s")

    @functools.partial(
        pl.kernel,
        mesh=mesh,
        compiler_params=pltpu.CompilerParams(needs_layout_passes=False),
        out_type=jax.ShapeDtypeStruct((B, 2 * D), jnp.float32),
        scratch_types=[
            pltpu.VMEM((b_per_w + L,), jnp.int32),
            pltpu.VMEM((b_per_w + L,), jnp.int32),
            pltpu.VMEM((b_per_w + L,), jnp.int32),
            pltpu.VMEM((b_per_w + L,), jnp.int32),
            pltpu.VMEM((HC,), jnp.int32),
            pltpu.VMEM((HC,), jnp.int32),
            pltpu.VMEM((NB, D, 128), jnp.float32),
            pltpu.VMEM((HC, 2 * D), jnp.float32),
            pltpu.SemaphoreType.DMA,
            pltpu.SemaphoreType.DMA,
        ],
    )
    def emb(slab_hbm, perm_hbm, tt_hbm, out_hbm,
            lab_v, labs_v, ord_v, wbase_v, pa_v, pb_v, buf_v, rows_v,
            sem, sem2):
        wid = lax.axis_index("s") * info.num_cores + lax.axis_index("c")
        base = wid * b_per_w
        pltpu.sync_copy(slab_hbm.at[pl.ds(base, b_per_w)],
                        lab_v.at[pl.ds(0, b_per_w)])
        pltpu.sync_copy(slab_hbm.at[pl.ds(base, b_per_w)],
                        labs_v.at[pl.ds(8, b_per_w)])
        pltpu.sync_copy(perm_hbm.at[pl.ds(base, HC)], pa_v)
        pltpu.sync_copy(perm_hbm.at[pl.ds(base + HC, HC)], pb_v)

        def scan_body(g, nwin):
            vec = lab_v[pl.ds(g * L, L)]
            win = lax.shift_right_logical(vec, 7)
            pvec = labs_v[pl.ds(g * L + 7, L)]
            pwin = lax.shift_right_logical(pvec, 7)
            first = jnp.logical_and(g == 0, lax.iota(jnp.int32, L) == 0)
            chg = jnp.logical_or(win != pwin, first)
            inc = jnp.where(chg, jnp.int32(1), jnp.int32(0))
            ord_v[pl.ds(g * L, L)] = nwin - 1 + plsc.cumsum(inc)
            plsc.store_compressed(
                wbase_v.at[pl.ds(nwin, L)], win * 128, mask=chg
            )
            cnt = plsc.all_reduce_population_count(chg)
            return nwin + cnt[0]

        n_win = lax.fori_loop(0, b_per_w // L, scan_body, jnp.int32(0))

        def fire(k):
            kc = jnp.minimum(k, n_win - 1)
            bse = pl.multiple_of(wbase_v[pl.ds(kc, L)][0], 128)
            pltpu.async_copy(
                tt_hbm.at[:, pl.ds(bse, 128)],
                buf_v.at[lax.rem(kc, NB)], sem
            )

        def drain():
            pltpu.make_async_copy(
                tt_hbm.at[:, pl.ds(0, 128)], buf_v.at[0], sem
            ).wait()

        for k in range(NB - 1):
            fire(jnp.int32(k))

        def label_body(i, cur):
            o = ord_v[pl.ds(i, L)][0]

            @pl.when(o != cur)
            def _():
                drain()
                fire(o + NB - 1)

            slot = lax.rem(o, NB)
            col = lab_v[pl.ds(i, L)][0]
            lo16 = jnp.full((L,), lax.rem(col, 128), jnp.int32)
            r = lax.rem(i, HC)
            for q in range(D // L):
                c16 = lax.iota(jnp.int32, L) + q * L
                rows_v[r, pl.ds(q * L, L)] = plsc.load_gather(
                    buf_v.at[slot], [c16, lo16]
                )
            return o

        cur = lax.fori_loop(0, HC, label_body, jnp.int32(-1))
        pltpu.async_copy(rows_v, out_hbm.at[pa_v], sem2).wait()
        cur = lax.fori_loop(HC, b_per_w, label_body, cur)
        pltpu.async_copy(rows_v, out_hbm.at[pb_v], sem2).wait()
        for _ in range(NB - 1):
            drain()

    return emb


def kernel(labels, embedding_table):
    B = labels.shape[0]
    V, D = embedding_table.shape
    emb = _make_sc_gather(V, D, B)
    labels = labels.astype(jnp.int32)
    perm = jnp.argsort(labels).astype(jnp.int32)
    slab = jnp.take(labels, perm)
    out2 = emb(slab, perm, embedding_table.T)
    return out2[:, :D]

# --- scband reference (transcript-rebuilt; emitter-appended) ---
"""Pipeline reference for scband-label-embedder-14903536517801 (READ-ONLY COPY).

The authoritative reference and input builder live on the scoring server;
editing this copy changes nothing except your own understanding.
"""

import jax, jax.numpy as jnp
import numpy as np

NUM_CLASSES = 1000000
HIDDEN_SIZE = 64
BATCH = 16384

def setup_inputs(seed: int = 0) -> dict:
    key = jax.random.key(seed)
    k_lab, k_tab = jax.random.split(key, 2)
    labels = jax.random.randint(k_lab, (BATCH,), 0, NUM_CLASSES, dtype=jnp.int64 if jax.config.jax_enable_x64 else jnp.int32)
    # drop=0.0 -> use_cfg_embeddings=False -> table has exactly NUM_CLASSES rows
    embedding_table = jax.random.normal(k_tab, (NUM_CLASSES, HIDDEN_SIZE), dtype=jnp.float32) * 0.02
    return {"labels": labels, "embedding_table": embedding_table}

def reference(labels, embedding_table):
    # drop == 0.0 so token_drop is never invoked; forward is a pure embedding lookup
    label_embeds = jnp.take(embedding_table, labels, axis=0)
    return label_embeds

if __name__ == "__main__":
    import jax
    _d = setup_inputs()
    print(jax.jit(kernel)(*tuple(_d.values())))

</pallas_src>

<mosaic_0001>
#map = affine_map<(d0, d1) -> (0)>
#map1 = affine_map<(d0, d1) -> (0, 0)>
module attributes {stable_mosaic.version = 14 : i64} {
  func.func @emb(%arg0: i32, %arg1: i32, %arg2: memref<16384xi32, #tpu.memory_space<hbm>>, %arg3: memref<16384xi32, #tpu.memory_space<hbm>>, %arg4: memref<64x1000000xf32, #tpu.memory_space<hbm>>, %arg5: memref<16384x128xf32, #tpu.memory_space<hbm>>, %arg6: memref<528xi32, #tpu.memory_space<vmem>>, %arg7: memref<528xi32, #tpu.memory_space<vmem>>, %arg8: memref<528xi32, #tpu.memory_space<vmem>>, %arg9: memref<528xi32, #tpu.memory_space<vmem>>, %arg10: memref<256xi32, #tpu.memory_space<vmem>>, %arg11: memref<256xi32, #tpu.memory_space<vmem>>, %arg12: memref<6x64x128xf32, #tpu.memory_space<vmem>>, %arg13: memref<256x128xf32, #tpu.memory_space<vmem>>, %arg14: memref<!tpu.dma_semaphore, #tpu.memory_space<semaphore_mem>>, %arg15: memref<!tpu.dma_semaphore, #tpu.memory_space<semaphore_mem>>) attributes {dimension_semantics = [#tpu.dimension_semantics<core_parallel>, #tpu.dimension_semantics<subcore_parallel>], iteration_bounds = array<i64: 2, 16>, scalar_prefetch = 0 : i64, scratch_operands = 10 : i64, tpu.core_type = #tpu.core_type<sc_vector_subcore>, window_params = [{transform_indices = #map}, {transform_indices = #map}, {transform_indices = #map1}, {transform_indices = #map1}]} {
    %mul3A = arith.constant 2 : i32
    %mul3A_0 = arith.muli %arg1, %mul3A : i32
    %add3A = arith.addi %mul3A_0, %arg0 : i32
    %mul3A_1 = arith.constant 512 : i32
    %mul3A_2 = arith.muli %add3A, %mul3A_1 : i32
    "tpu.region"() ({
      %run_scoped3A = tpu.sem_alloc : memref<!tpu.dma_semaphore, #tpu.memory_space<semaphore_mem>>
      %dma_start3A_217 = arith.constant 0 : i32
      %dma_start3A_218 = tpu.memref_slice %arg6[%dma_start3A_217] : memref<528xi32, #tpu.memory_space<vmem>> -> memref<512xi32, #tpu.memory_space<vmem>>
      %dma_start3A_219 = tpu.memref_slice %arg2[%mul3A_2] : memref<16384xi32, #tpu.memory_space<hbm>> -> memref<512xi32, #tpu.memory_space<hbm>>
      %dma_start3A_220 = arith.constant 0 : i32
      %dma_start3A_221 = tpu.memref_slice %arg6[%dma_start3A_220] : memref<528xi32, #tpu.memory_space<vmem>> -> memref<512xi32, #tpu.memory_space<vmem>>
      %dma_start3A_222 = tpu.memref_slice %arg2[%mul3A_2] : memref<16384xi32, #tpu.memory_space<hbm>> -> memref<512xi32, #tpu.memory_space<hbm>>
      tpu.enqueue_dma source(%dma_start3A_222 : memref<512xi32, #tpu.memory_space<hbm>>) target(%dma_start3A_221 : memref<512xi32, #tpu.memory_space<vmem>>) target_semaphore(%run_scoped3A : memref<!tpu.dma_semaphore, #tpu.memory_space<semaphore_mem>>)
      %dma_wait3A_223 = arith.constant 0 : i32
      %dma_wait3A_224 = tpu.memref_slice %arg6[%dma_wait3A_223] : memref<528xi32, #tpu.memory_space<vmem>> -> memref<512xi32, #tpu.memory_space<vmem>>
      %dma_wait3A_225 = tpu.memref_slice %arg2[%mul3A_2] : memref<16384xi32, #tpu.memory_space<hbm>> -> memref<512xi32, #tpu.memory_space<hbm>>
      %dma_wait3A_226 = arith.constant 0 : i32
      %dma_wait3A_227 = tpu.memref_slice %arg6[%dma_wait3A_226] : memref<528xi32, #tpu.memory_space<vmem>> -> memref<512xi32, #tpu.memory_space<vmem>>
      %dma_wait3A_228 = tpu.memref_slice %arg2[%mul3A_2] : memref<16384xi32, #tpu.memory_space<hbm>> -> memref<512xi32, #tpu.memory_space<hbm>>
      tpu.wait_dma2 semaphore(%run_scoped3A : memref<!tpu.dma_semaphore, #tpu.memory_space<semaphore_mem>>) src(%dma_wait3A_228 : memref<512xi32, #tpu.memory_space<hbm>>) dst(%dma_wait3A_227 : memref<512xi32, #tpu.memory_space<vmem>>)
      tpu.yield
    }) : () -> ()
    "tpu.region"() ({
      %run_scoped3A = tpu.sem_alloc : memref<!tpu.dma_semaphore, #tpu.memory_space<semaphore_mem>>
      %dma_start3A_217 = arith.constant 8 : i32
      %dma_start3A_218 = tpu.memref_slice %arg7[%dma_start3A_217] : memref<528xi32, #tpu.memory_space<vmem>> -> memref<512xi32, #tpu.memory_space<vmem>>
      %dma_start3A_219 = tpu.memref_slice %arg2[%mul3A_2] : memref<16384xi32, #tpu.memory_space<hbm>> -> memref<512xi32, #tpu.memory_space<hbm>>
      %dma_start3A_220 = arith.constant 8 : i32
      %dma_start3A_221 = tpu.memref_slice %arg7[%dma_start3A_220] : memref<528xi32, #tpu.memory_space<vmem>> -> memref<512xi32, #tpu.memory_space<vmem>>
      %dma_start3A_222 = tpu.memref_slice %arg2[%mul3A_2] : memref<16384xi32, #tpu.memory_space<hbm>> -> memref<512xi32, #tpu.memory_space<hbm>>
      tpu.enqueue_dma source(%dma_start3A_222 : memref<512xi32, #tpu.memory_space<hbm>>) target(%dma_start3A_221 : memref<512xi32, #tpu.memory_space<vmem>>) target_semaphore(%run_scoped3A : memref<!tpu.dma_semaphore, #tpu.memory_space<semaphore_mem>>)
      %dma_wait3A_223 = arith.constant 8 : i32
      %dma_wait3A_224 = tpu.memref_slice %arg7[%dma_wait3A_223] : memref<528xi32, #tpu.memory_space<vmem>> -> memref<512xi32, #tpu.memory_space<vmem>>
      %dma_wait3A_225 = tpu.memref_slice %arg2[%mul3A_2] : memref<16384xi32, #tpu.memory_space<hbm>> -> memref<512xi32, #tpu.memory_space<hbm>>
      %dma_wait3A_226 = arith.constant 8 : i32
      %dma_wait3A_227 = tpu.memref_slice %arg7[%dma_wait3A_226] : memref<528xi32, #tpu.memory_space<vmem>> -> memref<512xi32, #tpu.memory_space<vmem>>
      %dma_wait3A_228 = tpu.memref_slice %arg2[%mul3A_2] : memref<16384xi32, #tpu.memory_space<hbm>> -> memref<512xi32, #tpu.memory_space<hbm>>
      tpu.wait_dma2 semaphore(%run_scoped3A : memref<!tpu.dma_semaphore, #tpu.memory_space<semaphore_mem>>) src(%dma_wait3A_228 : memref<512xi32, #tpu.memory_space<hbm>>) dst(%dma_wait3A_227 : memref<512xi32, #tpu.memory_space<vmem>>)
      tpu.yield
    }) : () -> ()
    "tpu.region"() ({
      %run_scoped3A = tpu.sem_alloc : memref<!tpu.dma_semaphore, #tpu.memory_space<semaphore_mem>>
      %dma_start3A_217 = tpu.memref_slice %arg3[%mul3A_2] : memref<16384xi32, #tpu.memory_space<hbm>> -> memref<256xi32, #tpu.memory_space<hbm>>
      %dma_start3A_218 = tpu.memref_slice %arg3[%mul3A_2] : memref<16384xi32, #tpu.memory_space<hbm>> -> memref<256xi32, #tpu.memory_space<hbm>>
      tpu.enqueue_dma source(%dma_start3A_218 : memref<256xi32, #tpu.memory_space<hbm>>) target(%arg10 : memref<256xi32, #tpu.memory_space<vmem>>) target_semaphore(%run_scoped3A : memref<!tpu.dma_semaphore, #tpu.memory_space<semaphore_mem>>)
      %dma_wait3A_219 = tpu.memref_slice %arg3[%mul3A_2] : memref<16384xi32, #tpu.memory_space<hbm>> -> memref<256xi32, #tpu.memory_space<hbm>>
      %dma_wait3A_220 = tpu.memref_slice %arg3[%mul3A_2] : memref<16384xi32, #tpu.memory_space<hbm>> -> memref<256xi32, #tpu.memory_space<hbm>>
      tpu.wait_dma2 semaphore(%run_scoped3A : memref<!tpu.dma_semaphore, #tpu.memory_space<semaphore_mem>>) src(%dma_wait3A_220 : memref<256xi32, #tpu.memory_space<hbm>>) dst(%arg10 : memref<256xi32, #tpu.memory_space<vmem>>)
      tpu.yield
    }) : () -> ()
    %add3A_3 = arith.constant 256 : i32
    %add3A_4 = arith.addi %mul3A_2, %add3A_3 : i32
    "tpu.region"() ({
      %run_scoped3A = tpu.sem_alloc : memref<!tpu.dma_semaphore, #tpu.memory_space<semaphore_mem>>
      %dma_start3A_217 = tpu.memref_slice %arg3[%add3A_4] : memref<16384xi32, #tpu.memory_space<hbm>> -> memref<256xi32, #tpu.memory_space<hbm>>
      %dma_start3A_218 = tpu.memref_slice %arg3[%add3A_4] : memref<16384xi32, #tpu.memory_space<hbm>> -> memref<256xi32, #tpu.memory_space<hbm>>
      tpu.enqueue_dma source(%dma_start3A_218 : memref<256xi32, #tpu.memory_space<hbm>>) target(%arg11 : memref<256xi32, #tpu.memory_space<vmem>>) target_semaphore(%run_scoped3A : memref<!tpu.dma_semaphore, #tpu.memory_space<semaphore_mem>>)
      %dma_wait3A_219 = tpu.memref_slice %arg3[%add3A_4] : memref<16384xi32, #tpu.memory_space<hbm>> -> memref<256xi32, #tpu.memory_space<hbm>>
      %dma_wait3A_220 = tpu.memref_slice %arg3[%add3A_4] : memref<16384xi32, #tpu.memory_space<hbm>> -> memref<256xi32, #tpu.memory_space<hbm>>
      tpu.wait_dma2 semaphore(%run_scoped3A : memref<!tpu.dma_semaphore, #tpu.memory_space<semaphore_mem>>) src(%dma_wait3A_220 : memref<256xi32, #tpu.memory_space<hbm>>) dst(%arg11 : memref<256xi32, #tpu.memory_space<vmem>>)
      tpu.yield
    }) : () -> ()
    %scan3A = arith.constant 0 : i32
    %scan3A_5 = arith.constant 0 : i32
    %scan3A_6 = arith.constant 32 : i32
    %scan3A_7 = arith.addi %scan3A_5, %scan3A_6 : i32
    %scan3A_8 = arith.constant 1 : i32
    %scan3A_9 = scf.for %scan3A_217 = %scan3A_5 to %scan3A_7 step %scan3A_8 iter_args(%scan3A_218 = %scan3A) -> (i32)  : i32 {
      %mul3A_219 = arith.constant 16 : i32
      %mul3A_220 = arith.muli %scan3A_217, %mul3A_219 : i32
      %get3A_221 = arith.index_cast %mul3A_220 : i32 to index
      %get3A_222 = tpu.vector_load %arg6[%get3A_221] {strides = array<i32>} : memref<528xi32, #tpu.memory_space<vmem>>, vector<16xi32>,
      %shift_right_logical3A = arith.constant 7 : i32
      %shift_right_logical3A_223 = vector.broadcast %shift_right_logical3A : i32 to vector<16xi32>
      %shift_right_logical3A_224 = arith.shrui %get3A_222, %shift_right_logical3A_223 : vector<16xi32>
      %mul3A_225 = arith.constant 16 : i32
      %mul3A_226 = arith.muli %scan3A_217, %mul3A_225 : i32
      %add3A_227 = arith.constant 7 : i32
      %add3A_228 = arith.addi %mul3A_226, %add3A_227 : i32
      %get3A_229 = arith.index_cast %add3A_228 : i32 to index
      %get3A_230 = tpu.vector_load %arg7[%get3A_229] {strides = array<i32>} : memref<528xi32, #tpu.memory_space<vmem>>, vector<16xi32>,
      %shift_right_logical3A_231 = arith.constant 7 : i32
      %shift_right_logical3A_232 = vector.broadcast %shift_right_logical3A_231 : i32 to vector<16xi32>
      %shift_right_logical3A_233 = arith.shrui %get3A_230, %shift_right_logical3A_232 : vector<16xi32>
      %eq3A = arith.constant 0 : i32
      %eq3A_234 = arith.cmpi eq, %scan3A_217, %eq3A : i32
      %iota3A = tpu.iota {dimensions = array<i32: 0>} : vector<16xi32>
      %eq3A_235 = arith.constant 0 : i32
      %eq3A_236 = vector.broadcast %eq3A_235 : i32 to vector<16xi32>
      %eq3A_237 = arith.cmpi eq, %iota3A, %eq3A_236 : vector<16xi32>
      %and3A = vector.broadcast %eq3A_234 : i1 to vector<16xi1>
      %and3A_238 = arith.andi %and3A, %eq3A_237 : vector<16xi1>
      %ne3A = arith.cmpi ne, %shift_right_logical3A_224, %shift_right_logical3A_233 : vector<16xi32>
      %or3A = arith.ori %ne3A, %and3A_238 : vector<16xi1>
      %jit3A = arith.constant 1 : i32
      %jit3A_239 = arith.constant 0 : i32
      %broadcast_in_dim3A = vector.broadcast %jit3A : i32 to vector<16xi32>
      %broadcast_in_dim3A_240 = vector.broadcast %jit3A_239 : i32 to vector<16xi32>
      %select_n3A = arith.select %or3A, %broadcast_in_dim3A, %broadcast_in_dim3A_240 : vector<16xi1>, vector<16xi32>
      %sub3A_241 = arith.constant 1 : i32
      %sub3A_242 = arith.subi %scan3A_218, %sub3A_241 : i32
      %broadcast_in_dim3A_243 = arith.constant true
      %broadcast_in_dim3A_244 = vector.broadcast %broadcast_in_dim3A_243 : i1 to vector<16xi1>
      %masked_cumsum3A = tpu.scan <sum>, %select_n3A masked %broadcast_in_dim3A_244 : vector<16xi32>, vector<16xi1> -> vector<16xi32>
      %add3A_245 = vector.broadcast %sub3A_242 : i32 to vector<16xi32>
      %add3A_246 = arith.addi %add3A_245, %masked_cumsum3A : vector<16xi32>
      %mul3A_247 = arith.constant 16 : i32
      %mul3A_248 = arith.muli %scan3A_217, %mul3A_247 : i32
      %swap3A = arith.index_cast %mul3A_248 : i32 to index
      %swap3A_249 = tpu.vector_load %arg8[%swap3A] {strides = array<i32>} : memref<528xi32, #tpu.memory_space<vmem>>, vector<16xi32>,
      tpu.vector_store %arg8[%swap3A], %add3A_246 {strides = array<i32>} : memref<528xi32, #tpu.memory_space<vmem>>, vector<16xi32>,
      %mul3A_250 = arith.constant 128 : i32
      %mul3A_251 = vector.broadcast %mul3A_250 : i32 to vector<16xi32>
      %mul3A_252 = arith.muli %shift_right_logical3A_224, %mul3A_251 : vector<16xi32>
      %swap3A_253 = arith.index_cast %scan3A_218 : i32 to index
      %swap3A_254 = tpu.vector_load %arg9[%swap3A_253] masked %or3A {strides = array<i32>} : memref<528xi32, #tpu.memory_space<vmem>>, vector<16xi32>, vector<16xi1>
      tpu.vector_store %arg9[%swap3A_253], %mul3A_252 masked %or3A {strides = array<i32>} : memref<528xi32, #tpu.memory_space<vmem>>, vector<16xi32>, vector<16xi1>
      %all_reduce_population_count3A = tpu.all_reduce %or3A {dim = 0 : i64, kind = #tpu.reduction_kind<sum>} : vector<16xi1> -> vector<16xi32>
      %slice3A_255 = vector.extract_strided_slice %all_reduce_population_count3A {offsets = [0], sizes = [1], strides = [1]} : vector<16xi32> to vector<1xi32>
      %squeeze3A_256 = vector.extract %slice3A_255[0] : i32 from vector<1xi32>
      %add3A_257 = arith.addi %scan3A_218, %squeeze3A_256 : i32
      scf.yield %add3A_257 : i32
    }
    %scan3A_10 = arith.constant 32 : i32
    %sub3A = arith.constant 1 : i32
    %sub3A_11 = arith.subi %scan3A_9, %sub3A : i32
    %min3A = arith.constant 0 : i32
    %min3A_12 = arith.minsi %min3A, %sub3A_11 : i32
    %get3A = arith.index_cast %min3A_12 : i32 to index
    %get3A_13 = tpu.vector_load %arg9[%get3A] {strides = array<i32>} : memref<528xi32, #tpu.memory_space<vmem>>, vector<16xi32>,
    %slice3A = vector.extract_strided_slice %get3A_13 {offsets = [0], sizes = [1], strides = [1]} : vector<16xi32> to vector<1xi32>
    %squeeze3A = vector.extract %slice3A[0] : i32 from vector<1xi32>
    %multiple_of3A = tpu.assume_multiple %squeeze3A, 128 : i32
    %rem3A = arith.constant 6 : i32
    %rem3A_14 = arith.remsi %min3A_12, %rem3A : i32
    %dma_start3A = arith.constant 0 : i32
    %dma_start3A_15 = arith.constant 0 : i32
    %dma_start3A_16 = tpu.memref_slice %arg12[%rem3A_14, %dma_start3A, %dma_start3A_15] : memref<6x64x128xf32, #tpu.memory_space<vmem>> -> memref<1x64x128xf32, #tpu.memory_space<vmem>>
    %dma_start3A_17 = tpu.memref_squeeze %dma_start3A_16 : memref<1x64x128xf32, #tpu.memory_space<vmem>> -> memref<64x128xf32, #tpu.memory_space<vmem>>
    %dma_start3A_18 = arith.constant 0 : i32
    %dma_start3A_19 = tpu.memref_slice %arg4[%dma_start3A_18, %multiple_of3A] : memref<64x1000000xf32, #tpu.memory_space<hbm>> -> memref<64x128xf32, #tpu.memory_space<hbm>>
    %dma_start3A_20 = arith.constant 0 : i32
    %dma_start3A_21 = arith.constant 0 : i32
    %dma_start3A_22 = tpu.memref_slice %arg12[%rem3A_14, %dma_start3A_20, %dma_start3A_21] : memref<6x64x128xf32, #tpu.memory_space<vmem>> -> memref<1x64x128xf32, #tpu.memory_space<vmem>>
    %dma_start3A_23 = tpu.memref_squeeze %dma_start3A_22 : memref<1x64x128xf32, #tpu.memory_space<vmem>> -> memref<64x128xf32, #tpu.memory_space<vmem>>
    %dma_start3A_24 = arith.constant 0 : i32
    %dma_start3A_25 = tpu.memref_slice %arg4[%dma_start3A_24, %multiple_of3A] : memref<64x1000000xf32, #tpu.memory_space<hbm>> -> memref<64x128xf32, #tpu.memory_space<hbm>>
    tpu.enqueue_dma source(%dma_start3A_25 : memref<64x128xf32, #tpu.memory_space<hbm>>) target(%dma_start3A_23 : memref<64x128xf32, #tpu.memory_space<vmem>>) target_semaphore(%arg14 : memref<!tpu.dma_semaphore, #tpu.memory_space<semaphore_mem>>)
    %sub3A_26 = arith.constant 1 : i32
    %sub3A_27 = arith.subi %scan3A_9, %sub3A_26 : i32
    %min3A_28 = arith.constant 1 : i32
    %min3A_29 = arith.minsi %min3A_28, %sub3A_27 : i32
    %get3A_30 = arith.index_cast %min3A_29 : i32 to index
    %get3A_31 = tpu.vector_load %arg9[%get3A_30] {strides = array<i32>} : memref<528xi32, #tpu.memory_space<vmem>>, vector<16xi32>,
    %slice3A_32 = vector.extract_strided_slice %get3A_31 {offsets = [0], sizes = [1], strides = [1]} : vector<16xi32> to vector<1xi32>
    %squeeze3A_33 = vector.extract %slice3A_32[0] : i32 from vector<1xi32>
    %multiple_of3A_34 = tpu.assume_multiple %squeeze3A_33, 128 : i32
    %rem3A_35 = arith.constant 6 : i32
    %rem3A_36 = arith.remsi %min3A_29, %rem3A_35 : i32
    %dma_start3A_37 = arith.constant 0 : i32
    %dma_start3A_38 = arith.constant 0 : i32
    %dma_start3A_39 = tpu.memref_slice %arg12[%rem3A_36, %dma_start3A_37, %dma_start3A_38] : memref<6x64x128xf32, #tpu.memory_space<vmem>> -> memref<1x64x128xf32, #tpu.memory_space<vmem>>
    %dma_start3A_40 = tpu.memref_squeeze %dma_start3A_39 : memref<1x64x128xf32, #tpu.memory_space<vmem>> -> memref<64x128xf32, #tpu.memory_space<vmem>>
    %dma_start3A_41 = arith.constant 0 : i32
    %dma_start3A_42 = tpu.memref_slice %arg4[%dma_start3A_41, %multiple_of3A_34] : memref<64x1000000xf32, #tpu.memory_space<hbm>> -> memref<64x128xf32, #tpu.memory_space<hbm>>
    %dma_start3A_43 = arith.constant 0 : i32
    %dma_start3A_44 = arith.constant 0 : i32
    %dma_start3A_45 = tpu.memref_slice %arg12[%rem3A_36, %dma_start3A_43, %dma_start3A_44] : memref<6x64x128xf32, #tpu.memory_space<vmem>> -> memref<1x64x128xf32, #tpu.memory_space<vmem>>
    %dma_start3A_46 = tpu.memref_squeeze %dma_start3A_45 : memref<1x64x128xf32, #tpu.memory_space<vmem>> -> memref<64x128xf32, #tpu.memory_space<vmem>>
    %dma_start3A_47 = arith.constant 0 : i32
    %dma_start3A_48 = tpu.memref_slice %arg4[%dma_start3A_47, %multiple_of3A_34] : memref<64x1000000xf32, #tpu.memory_space<hbm>> -> memref<64x128xf32, #tpu.memory_space<hbm>>
    tpu.enqueue_dma source(%dma_start3A_48 : memref<64x128xf32, #tpu.memory_space<hbm>>) target(%dma_start3A_46 : memref<64x128xf32, #tpu.memory_space<vmem>>) target_semaphore(%arg14 : memref<!tpu.dma_semaphore, #tpu.memory_space<semaphore_mem>>)
    %sub3A_49 = arith.constant 1 : i32
    %sub3A_50 = arith.subi %scan3A_9, %sub3A_49 : i32
    %min3A_51 = arith.constant 2 : i32
    %min3A_52 = arith.minsi %min3A_51, %sub3A_50 : i32
    %get3A_53 = arith.index_cast %min3A_52 : i32 to index
    %get3A_54 = tpu.vector_load %arg9[%get3A_53] {strides = array<i32>} : memref<528xi32, #tpu.memory_space<vmem>>, vector<16xi32>,
    %slice3A_55 = vector.extract_strided_slice %get3A_54 {offsets = [0], sizes = [1], strides = [1]} : vector<16xi32> to vector<1xi32>
    %squeeze3A_56 = vector.extract %slice3A_55[0] : i32 from vector<1xi32>
    %multiple_of3A_57 = tpu.assume_multiple %squeeze3A_56, 128 : i32
    %rem3A_58 = arith.constant 6 : i32
    %rem3A_59 = arith.remsi %min3A_52, %rem3A_58 : i32
    %dma_start3A_60 = arith.constant 0 : i32
    %dma_start3A_61 = arith.constant 0 : i32
    %dma_start3A_62 = tpu.memref_slice %arg12[%rem3A_59, %dma_start3A_60, %dma_start3A_61] : memref<6x64x128xf32, #tpu.memory_space<vmem>> -> memref<1x64x128xf32, #tpu.memory_space<vmem>>
    %dma_start3A_63 = tpu.memref_squeeze %dma_start3A_62 : memref<1x64x128xf32, #tpu.memory_space<vmem>> -> memref<64x128xf32, #tpu.memory_space<vmem>>
    %dma_start3A_64 = arith.constant 0 : i32
    %dma_start3A_65 = tpu.memref_slice %arg4[%dma_start3A_64, %multiple_of3A_57] : memref<64x1000000xf32, #tpu.memory_space<hbm>> -> memref<64x128xf32, #tpu.memory_space<hbm>>
    %dma_start3A_66 = arith.constant 0 : i32
    %dma_start3A_67 = arith.constant 0 : i32
    %dma_start3A_68 = tpu.memref_slice %arg12[%rem3A_59, %dma_start3A_66, %dma_start3A_67] : memref<6x64x128xf32, #tpu.memory_space<vmem>> -> memref<1x64x128xf32, #tpu.memory_space<vmem>>
    %dma_start3A_69 = tpu.memref_squeeze %dma_start3A_68 : memref<1x64x128xf32, #tpu.memory_space<vmem>> -> memref<64x128xf32, #tpu.memory_space<vmem>>
    %dma_start3A_70 = arith.constant 0 : i32
    %dma_start3A_71 = tpu.memref_slice %arg4[%dma_start3A_70, %multiple_of3A_57] : memref<64x1000000xf32, #tpu.memory_space<hbm>> -> memref<64x128xf32, #tpu.memory_space<hbm>>
    tpu.enqueue_dma source(%dma_start3A_71 : memref<64x128xf32, #tpu.memory_space<hbm>>) target(%dma_start3A_69 : memref<64x128xf32, #tpu.memory_space<vmem>>) target_semaphore(%arg14 : memref<!tpu.dma_semaphore, #tpu.memory_space<semaphore_mem>>)
    %sub3A_72 = arith.constant 1 : i32
    %sub3A_73 = arith.subi %scan3A_9, %sub3A_72 : i32
    %min3A_74 = arith.constant 3 : i32
    %min3A_75 = arith.minsi %min3A_74, %sub3A_73 : i32
    %get3A_76 = arith.index_cast %min3A_75 : i32 to index
    %get3A_77 = tpu.vector_load %arg9[%get3A_76] {strides = array<i32>} : memref<528xi32, #tpu.memory_space<vmem>>, vector<16xi32>,
    %slice3A_78 = vector.extract_strided_slice %get3A_77 {offsets = [0], sizes = [1], strides = [1]} : vector<16xi32> to vector<1xi32>
    %squeeze3A_79 = vector.extract %slice3A_78[0] : i32 from vector<1xi32>
    %multiple_of3A_80 = tpu.assume_multiple %squeeze3A_79, 128 : i32
    %rem3A_81 = arith.constant 6 : i32
    %rem3A_82 = arith.remsi %min3A_75, %rem3A_81 : i32
    %dma_start3A_83 = arith.constant 0 : i32
    %dma_start3A_84 = arith.constant 0 : i32
    %dma_start3A_85 = tpu.memref_slice %arg12[%rem3A_82, %dma_start3A_83, %dma_start3A_84] : memref<6x64x128xf32, #tpu.memory_space<vmem>> -> memref<1x64x128xf32, #tpu.memory_space<vmem>>
    %dma_start3A_86 = tpu.memref_squeeze %dma_start3A_85 : memref<1x64x128xf32, #tpu.memory_space<vmem>> -> memref<64x128xf32, #tpu.memory_space<vmem>>
    %dma_start3A_87 = arith.constant 0 : i32
    %dma_start3A_88 = tpu.memref_slice %arg4[%dma_start3A_87, %multiple_of3A_80] : memref<64x1000000xf32, #tpu.memory_space<hbm>> -> memref<64x128xf32, #tpu.memory_space<hbm>>
    %dma_start3A_89 = arith.constant 0 : i32
    %dma_start3A_90 = arith.constant 0 : i32
    %dma_start3A_91 = tpu.memref_slice %arg12[%rem3A_82, %dma_start3A_89, %dma_start3A_90] : memref<6x64x128xf32, #tpu.memory_space<vmem>> -> memref<1x64x128xf32, #tpu.memory_space<vmem>>
    %dma_start3A_92 = tpu.memref_squeeze %dma_start3A_91 : memref<1x64x128xf32, #tpu.memory_space<vmem>> -> memref<64x128xf32, #tpu.memory_space<vmem>>
    %dma_start3A_93 = arith.constant 0 : i32
    %dma_start3A_94 = tpu.memref_slice %arg4[%dma_start3A_93, %multiple_of3A_80] : memref<64x1000000xf32, #tpu.memory_space<hbm>> -> memref<64x128xf32, #tpu.memory_space<hbm>>
    tpu.enqueue_dma source(%dma_start3A_94 : memref<64x128xf32, #tpu.memory_space<hbm>>) target(%dma_start3A_92 : memref<64x128xf32, #tpu.memory_space<vmem>>) target_semaphore(%arg14 : memref<!tpu.dma_semaphore, #tpu.memory_space<semaphore_mem>>)
    %sub3A_95 = arith.constant 1 : i32
    %sub3A_96 = arith.subi %scan3A_9, %sub3A_95 : i32
    %min3A_97 = arith.constant 4 : i32
    %min3A_98 = arith.minsi %min3A_97, %sub3A_96 : i32
    %get3A_99 = arith.index_cast %min3A_98 : i32 to index
    %get3A_100 = tpu.vector_load %arg9[%get3A_99] {strides = array<i32>} : memref<528xi32, #tpu.memory_space<vmem>>, vector<16xi32>,
    %slice3A_101 = vector.extract_strided_slice %get3A_100 {offsets = [0], sizes = [1], strides = [1]} : vector<16xi32> to vector<1xi32>
    %squeeze3A_102 = vector.extract %slice3A_101[0] : i32 from vector<1xi32>
    %multiple_of3A_103 = tpu.assume_multiple %squeeze3A_102, 128 : i32
    %rem3A_104 = arith.constant 6 : i32
    %rem3A_105 = arith.remsi %min3A_98, %rem3A_104 : i32
    %dma_start3A_106 = arith.constant 0 : i32
    %dma_start3A_107 = arith.constant 0 : i32
    %dma_start3A_108 = tpu.memref_slice %arg12[%rem3A_105, %dma_start3A_106, %dma_start3A_107] : memref<6x64x128xf32, #tpu.memory_space<vmem>> -> memref<1x64x128xf32, #tpu.memory_space<vmem>>
    %dma_start3A_109 = tpu.memref_squeeze %dma_start3A_108 : memref<1x64x128xf32, #tpu.memory_space<vmem>> -> memref<64x128xf32, #tpu.memory_space<vmem>>
    %dma_start3A_110 = arith.constant 0 : i32
    %dma_start3A_111 = tpu.memref_slice %arg4[%dma_start3A_110, %multiple_of3A_103] : memref<64x1000000xf32, #tpu.memory_space<hbm>> -> memref<64x128xf32, #tpu.memory_space<hbm>>
    %dma_start3A_112 = arith.constant 0 : i32
    %dma_start3A_113 = arith.constant 0 : i32
    %dma_start3A_114 = tpu.memref_slice %arg12[%rem3A_105, %dma_start3A_112, %dma_start3A_113] : memref<6x64x128xf32, #tpu.memory_space<vmem>> -> memref<1x64x128xf32, #tpu.memory_space<vmem>>
    %dma_start3A_115 = tpu.memref_squeeze %dma_start3A_114 : memref<1x64x128xf32, #tpu.memory_space<vmem>> -> memref<64x128xf32, #tpu.memory_space<vmem>>
    %dma_start3A_116 = arith.constant 0 : i32
    %dma_start3A_117 = tpu.memref_slice %arg4[%dma_start3A_116, %multiple_of3A_103] : memref<64x1000000xf32, #tpu.memory_space<hbm>> -> memref<64x128xf32, #tpu.memory_space<hbm>>
    tpu.enqueue_dma source(%dma_start3A_117 : memref<64x128xf32, #tpu.memory_space<hbm>>) target(%dma_start3A_115 : memref<64x128xf32, #tpu.memory_space<vmem>>) target_semaphore(%arg14 : memref<!tpu.dma_semaphore, #tpu.memory_space<semaphore_mem>>)
    %scan3A_118 = arith.constant -1 : i32
    %scan3A_119 = arith.constant 0 : i32
    %scan3A_120 = arith.constant 256 : i32
    %scan3A_121 = arith.addi %scan3A_119, %scan3A_120 : i32
    %scan3A_122 = arith.constant 1 : i32
    %scan3A_123 = scf.for %scan3A_217 = %scan3A_119 to %scan3A_121 step %scan3A_122 iter_args(%scan3A_218 = %scan3A_118) -> (i32)  : i32 {
      %get3A_219 = arith.index_cast %scan3A_217 : i32 to index
      %get3A_220 = tpu.vector_load %arg8[%get3A_219] {strides = array<i32>} : memref<528xi32, #tpu.memory_space<vmem>>, vector<16xi32>,
      %slice3A_221 = vector.extract_strided_slice %get3A_220 {offsets = [0], sizes = [1], strides = [1]} : vector<16xi32> to vector<1xi32>
      %squeeze3A_222 = vector.extract %slice3A_221[0] : i32 from vector<1xi32>
      %ne3A = arith.cmpi ne, %squeeze3A_222, %scan3A_218 : i32
      %convert_element_type3A = arith.extui %ne3A : i1 to i32
      %cond3A = arith.constant 0 : i32
      %cond3A_223 = arith.cmpi ne, %convert_element_type3A, %cond3A : i32
      scf.if %cond3A_223 {
        %dma_wait3A_279 = arith.constant 0 : i32
        %dma_wait3A_280 = arith.constant 0 : i32
        %dma_wait3A_281 = arith.constant 0 : i32
        %dma_wait3A_282 = tpu.memref_slice %arg12[%dma_wait3A_279, %dma_wait3A_280, %dma_wait3A_281] : memref<6x64x128xf32, #tpu.memory_space<vmem>> -> memref<1x64x128xf32, #tpu.memory_space<vmem>>
        %dma_wait3A_283 = tpu.memref_squeeze %dma_wait3A_282 : memref<1x64x128xf32, #tpu.memory_space<vmem>> -> memref<64x128xf32, #tpu.memory_space<vmem>>
        %dma_wait3A_284 = arith.constant 0 : i32
        %dma_wait3A_285 = arith.constant 0 : i32
        %dma_wait3A_286 = tpu.memref_slice %arg4[%dma_wait3A_284, %dma_wait3A_285] : memref<64x1000000xf32, #tpu.memory_space<hbm>> -> memref<64x128xf32, #tpu.memory_space<hbm>>
        %dma_wait3A_287 = arith.constant 0 : i32
        %dma_wait3A_288 = arith.constant 0 : i32
        %dma_wait3A_289 = tpu.memref_slice %arg12[%dma_wait3A_279, %dma_wait3A_287, %dma_wait3A_288] : memref<6x64x128xf32, #tpu.memory_space<vmem>> -> memref<1x64x128xf32, #tpu.memory_space<vmem>>
        %dma_wait3A_290 = tpu.memref_squeeze %dma_wait3A_289 : memref<1x64x128xf32, #tpu.memory_space<vmem>> -> memref<64x128xf32, #tpu.memory_space<vmem>>
        %dma_wait3A_291 = arith.constant 0 : i32
        %dma_wait3A_292 = arith.constant 0 : i32
        %dma_wait3A_293 = tpu.memref_slice %arg4[%dma_wait3A_291, %dma_wait3A_292] : memref<64x1000000xf32, #tpu.memory_space<hbm>> -> memref<64x128xf32, #tpu.memory_space<hbm>>
        tpu.wait_dma2 semaphore(%arg14 : memref<!tpu.dma_semaphore, #tpu.memory_space<semaphore_mem>>) src(%dma_wait3A_293 : memref<64x128xf32, #tpu.memory_space<hbm>>) dst(%dma_wait3A_290 : memref<64x128xf32, #tpu.memory_space<vmem>>)
        %add3A_294 = arith.constant 6 : i32
        %add3A_295 = arith.addi %squeeze3A_222, %add3A_294 : i32
        %sub3A_296 = arith.constant 1 : i32
        %sub3A_297 = arith.subi %add3A_295, %sub3A_296 : i32
        %sub3A_298 = arith.constant 1 : i32
        %sub3A_299 = arith.subi %scan3A_9, %sub3A_298 : i32
        %min3A_300 = arith.minsi %sub3A_297, %sub3A_299 : i32
        %get3A_301 = arith.index_cast %min3A_300 : i32 to index
        %get3A_302 = tpu.vector_load %arg9[%get3A_301] {strides = array<i32>} : memref<528xi32, #tpu.memory_space<vmem>>, vector<16xi32>,
        %slice3A_303 = vector.extract_strided_slice %get3A_302 {offsets = [0], sizes = [1], strides = [1]} : vector<16xi32> to vector<1xi32>
        %squeeze3A_304 = vector.extract %slice3A_303[0] : i32 from vector<1xi32>
        %multiple_of3A_305 = tpu.assume_multiple %squeeze3A_304, 128 : i32
        %rem3A_306 = arith.constant 6 : i32
        %rem3A_307 = arith.remsi %min3A_300, %rem3A_306 : i32
        %dma_start3A_308 = arith.constant 0 : i32
        %dma_start3A_309 = arith.constant 0 : i32
        %dma_start3A_310 = tpu.memref_slice %arg12[%rem3A_307, %dma_start3A_308, %dma_start3A_309] : memref<6x64x128xf32, #tpu.memory_space<vmem>> -> memref<1x64x128xf32, #tpu.memory_space<vmem>>
        %dma_start3A_311 = tpu.memref_squeeze %dma_start3A_310 : memref<1x64x128xf32, #tpu.memory_space<vmem>> -> memref<64x128xf32, #tpu.memory_space<vmem>>
        %dma_start3A_312 = arith.constant 0 : i32
        %dma_start3A_313 = tpu.memref_slice %arg4[%dma_start3A_312, %multiple_of3A_305] : memref<64x1000000xf32, #tpu.memory_space<hbm>> -> memref<64x128xf32, #tpu.memory_space<hbm>>
        %dma_start3A_314 = arith.constant 0 : i32
        %dma_start3A_315 = arith.constant 0 : i32
        %dma_start3A_316 = tpu.memref_slice %arg12[%rem3A_307, %dma_start3A_314, %dma_start3A_315] : memref<6x64x128xf32, #tpu.memory_space<vmem>> -> memref<1x64x128xf32, #tpu.memory_space<vmem>>
        %dma_start3A_317 = tpu.memref_squeeze %dma_start3A_316 : memref<1x64x128xf32, #tpu.memory_space<vmem>> -> memref<64x128xf32, #tpu.memory_space<vmem>>
        %dma_start3A_318 = arith.constant 0 : i32
        %dma_start3A_319 = tpu.memref_slice %arg4[%dma_start3A_318, %multiple_of3A_305] : memref<64x1000000xf32, #tpu.memory_space<hbm>> -> memref<64x128xf32, #tpu.memory_space<hbm>>
        tpu.enqueue_dma source(%dma_start3A_319 : memref<64x128xf32, #tpu.memory_space<hbm>>) target(%dma_start3A_317 : memref<64x128xf32, #tpu.memory_space<vmem>>) target_semaphore(%arg14 : memref<!tpu.dma_semaphore, #tpu.memory_space<semaphore_mem>>)
      } else {
      }
      %rem3A_224 = arith.constant 6 : i32
      %rem3A_225 = arith.remsi %squeeze3A_222, %rem3A_224 : i32
      %get3A_226 = arith.index_cast %scan3A_217 : i32 to index
      %get3A_227 = tpu.vector_load %arg6[%get3A_226] {strides = array<i32>} : memref<528xi32, #tpu.memory_space<vmem>>, vector<16xi32>,
      %slice3A_228 = vector.extract_strided_slice %get3A_227 {offsets = [0], sizes = [1], strides = [1]} : vector<16xi32> to vector<1xi32>
      %squeeze3A_229 = vector.extract %slice3A_228[0] : i32 from vector<1xi32>
      %rem3A_230 = arith.constant 128 : i32
      %rem3A_231 = arith.remsi %squeeze3A_229, %rem3A_230 : i32
      %broadcast_in_dim3A = vector.broadcast %rem3A_231 : i32 to vector<16xi32>
      %rem3A_232 = arith.constant 256 : i32
      %rem3A_233 = arith.remsi %scan3A_217, %rem3A_232 : i32
      %iota3A = tpu.iota {dimensions = array<i32: 0>} : vector<16xi32>
      %add3A_234 = arith.constant 0 : i32
      %add3A_235 = vector.broadcast %add3A_234 : i32 to vector<16xi32>
      %add3A_236 = arith.addi %iota3A, %add3A_235 : vector<16xi32>
      %gather3A = arith.constant 0 : i32
      %gather3A_237 = arith.constant 0 : i32
      %gather3A_238 = tpu.memref_slice %arg12[%rem3A_225, %gather3A, %gather3A_237] : memref<6x64x128xf32, #tpu.memory_space<vmem>> -> memref<1x64x128xf32, #tpu.memory_space<vmem>>
      %gather3A_239 = tpu.memref_squeeze %gather3A_238 : memref<1x64x128xf32, #tpu.memory_space<vmem>> -> memref<64x128xf32, #tpu.memory_space<vmem>>
      %gather3A_240 = tpu.vector_load_idx %gather3A_239[%add3A_236, %broadcast_in_dim3A] : memref<64x128xf32, #tpu.memory_space<vmem>>[vector<16xi32>, vector<16xi32>], vector<16xf32>,
      %swap3A = arith.index_cast %rem3A_233 : i32 to index
      %swap3A_241 = arith.constant 0 : index
      %swap3A_242 = tpu.vector_load %arg13[%swap3A, %swap3A_241] {strides = array<i32>} : memref<256x128xf32, #tpu.memory_space<vmem>>, vector<16xf32>,
      tpu.vector_store %arg13[%swap3A, %swap3A_241], %gather3A_240 {strides = array<i32>} : memref<256x128xf32, #tpu.memory_space<vmem>>, vector<16xf32>,
      %iota3A_243 = tpu.iota {dimensions = array<i32: 0>} : vector<16xi32>
      %add3A_244 = arith.constant 16 : i32
      %add3A_245 = vector.broadcast %add3A_244 : i32 to vector<16xi32>
      %add3A_246 = arith.addi %iota3A_243, %add3A_245 : vector<16xi32>
      %gather3A_247 = arith.constant 0 : i32
      %gather3A_248 = arith.constant 0 : i32
      %gather3A_249 = tpu.memref_slice %arg12[%rem3A_225, %gather3A_247, %gather3A_248] : memref<6x64x128xf32, #tpu.memory_space<vmem>> -> memref<1x64x128xf32, #tpu.memory_space<vmem>>
      %gather3A_250 = tpu.memref_squeeze %gather3A_249 : memref<1x64x128xf32, #tpu.memory_space<vmem>> -> memref<64x128xf32, #tpu.memory_space<vmem>>
      %gather3A_251 = tpu.vector_load_idx %gather3A_250[%add3A_246, %broadcast_in_dim3A] : memref<64x128xf32, #tpu.memory_space<vmem>>[vector<16xi32>, vector<16xi32>], vector<16xf32>,
      %swap3A_252 = arith.index_cast %rem3A_233 : i32 to index
      %swap3A_253 = arith.constant 16 : index
      %swap3A_254 = tpu.vector_load %arg13[%swap3A_252, %swap3A_253] {strides = array<i32>} : memref<256x128xf32, #tpu.memory_space<vmem>>, vector<16xf32>,
      tpu.vector_store %arg13[%swap3A_252, %swap3A_253], %gather3A_251 {strides = array<i32>} : memref<256x128xf32, #tpu.memory_space<vmem>>, vector<16xf32>,
      %iota3A_255 = tpu.iota {dimensions = array<i32: 0>} : vector<16xi32>
      %add3A_256 = arith.constant 32 : i32
      %add3A_257 = vector.broadcast %add3A_256 : i32 to vector<16xi32>
      %add3A_258 = arith.addi %iota3A_255, %add3A_257 : vector<16xi32>
      %gather3A_259 = arith.constant 0 : i32
      %gather3A_260 = arith.constant 0 : i32
      %gather3A_261 = tpu.memref_slice %arg12[%rem3A_225, %gather3A_259, %gather3A_260] : memref<6x64x128xf32, #tpu.memory_space<vmem>> -> memref<1x64x128xf32, #tpu.memory_space<vmem>>
      %gather3A_262 = tpu.memref_squeeze %gather3A_261 : memref<1x64x128xf32, #tpu.memory_space<vmem>> -> memref<64x128xf32, #tpu.memory_space<vmem>>
      %gather3A_263 = tpu.vector_load_idx %gather3A_262[%add3A_258, %broadcast_in_dim3A] : memref<64x128xf32, #tpu.memory_space<vmem>>[vector<16xi32>, vector<16xi32>], vector<16xf32>,
      %swap3A_264 = arith.index_cast %rem3A_233 : i32 to index
      %swap3A_265 = arith.constant 32 : index
      %swap3A_266 = tpu.vector_load %arg13[%swap3A_264, %swap3A_265] {strides = array<i32>} : memref<256x128xf32, #tpu.memory_space<vmem>>, vector<16xf32>,
      tpu.vector_store %arg13[%swap3A_264, %swap3A_265], %gather3A_263 {strides = array<i32>} : memref<256x128xf32, #tpu.memory_space<vmem>>, vector<16xf32>,
      %iota3A_267 = tpu.iota {dimensions = array<i32: 0>} : vector<16xi32>
      %add3A_268 = arith.constant 48 : i32
      %add3A_269 = vector.broadcast %add3A_268 : i32 to vector<16xi32>
      %add3A_270 = arith.addi %iota3A_267, %add3A_269 : vector<16xi32>
      %gather3A_271 = arith.constant 0 : i32
      %gather3A_272 = arith.constant 0 : i32
      %gather3A_273 = tpu.memref_slice %arg12[%rem3A_225, %gather3A_271, %gather3A_272] : memref<6x64x128xf32, #tpu.memory_space<vmem>> -> memref<1x64x128xf32, #tpu.memory_space<vmem>>
      %gather3A_274 = tpu.memref_squeeze %gather3A_273 : memref<1x64x128xf32, #tpu.memory_space<vmem>> -> memref<64x128xf32, #tpu.memory_space<vmem>>
      %gather3A_275 = tpu.vector_load_idx %gather3A_274[%add3A_270, %broadcast_in_dim3A] : memref<64x128xf32, #tpu.memory_space<vmem>>[vector<16xi32>, vector<16xi32>], vector<16xf32>,
      %swap3A_276 = arith.index_cast %rem3A_233 : i32 to index
      %swap3A_277 = arith.constant 48 : index
      %swap3A_278 = tpu.vector_load %arg13[%swap3A_276, %swap3A_277] {strides = array<i32>} : memref<256x128xf32, #tpu.memory_space<vmem>>, vector<16xf32>,
      tpu.vector_store %arg13[%swap3A_276, %swap3A_277], %gather3A_275 {strides = array<i32>} : memref<256x128xf32, #tpu.memory_space<vmem>>, vector<16xf32>,
      scf.yield %squeeze3A_222 : i32
    }
    %scan3A_124 = arith.constant 256 : i32
    %dma_start3A_125 = arith.constant 0 : i32
    %dma_start3A_126 = arith.constant 0 : i32
    %dma_start3A_127 = tpu.memref_slice %arg5[%dma_start3A_125, %dma_start3A_126] : memref<16384x128xf32, #tpu.memory_space<hbm>> -> memref<16384x128xf32, #tpu.memory_space<hbm>>
    tpu.enqueue_indirect_dma source(%arg13 : memref<256x128xf32, #tpu.memory_space<vmem>>) target(%dma_start3A_127 : memref<16384x128xf32, #tpu.memory_space<hbm>>) offsets(%arg10 : memref<256xi32, #tpu.memory_space<vmem>>) semaphore(%arg15 : memref<!tpu.dma_semaphore, #tpu.memory_space<semaphore_mem>>)
    %dma_wait3A = arith.constant 0 : i32
    %dma_wait3A_128 = arith.constant 0 : i32
    %dma_wait3A_129 = tpu.memref_slice %arg5[%dma_wait3A, %dma_wait3A_128] : memref<16384x128xf32, #tpu.memory_space<hbm>> -> memref<16384x128xf32, #tpu.memory_space<hbm>>
    tpu.wait_indirect_dma semaphore(%arg15 : memref<!tpu.dma_semaphore, #tpu.memory_space<semaphore_mem>>) src(%arg13 : memref<256x128xf32, #tpu.memory_space<vmem>>) dst(%dma_wait3A_129 : memref<16384x128xf32, #tpu.memory_space<hbm>>)
    %scan3A_130 = arith.constant 256 : i32
    %scan3A_131 = arith.constant 256 : i32
    %scan3A_132 = arith.addi %scan3A_130, %scan3A_131 : i32
    %scan3A_133 = arith.constant 1 : i32
    %scan3A_134 = scf.for %scan3A_217 = %scan3A_130 to %scan3A_132 step %scan3A_133 iter_args(%scan3A_218 = %scan3A_123) -> (i32)  : i32 {
      %get3A_219 = arith.index_cast %scan3A_217 : i32 to index
      %get3A_220 = tpu.vector_load %arg8[%get3A_219] {strides = array<i32>} : memref<528xi32, #tpu.memory_space<vmem>>, vector<16xi32>,
      %slice3A_221 = vector.extract_strided_slice %get3A_220 {offsets = [0], sizes = [1], strides = [1]} : vector<16xi32> to vector<1xi32>
      %squeeze3A_222 = vector.extract %slice3A_221[0] : i32 from vector<1xi32>
      %ne3A = arith.cmpi ne, %squeeze3A_222, %scan3A_218 : i32
      %convert_element_type3A = arith.extui %ne3A : i1 to i32
      %cond3A = arith.constant 0 : i32
      %cond3A_223 = arith.cmpi ne, %convert_element_type3A, %cond3A : i32
      scf.if %cond3A_223 {
        %dma_wait3A_279 = arith.constant 0 : i32
        %dma_wait3A_280 = arith.constant 0 : i32
        %dma_wait3A_281 = arith.constant 0 : i32
        %dma_wait3A_282 = tpu.memref_slice %arg12[%dma_wait3A_279, %dma_wait3A_280, %dma_wait3A_281] : memref<6x64x128xf32, #tpu.memory_space<vmem>> -> memref<1x64x128xf32, #tpu.memory_space<vmem>>
        %dma_wait3A_283 = tpu.memref_squeeze %dma_wait3A_282 : memref<1x64x128xf32, #tpu.memory_space<vmem>> -> memref<64x128xf32, #tpu.memory_space<vmem>>
        %dma_wait3A_284 = arith.constant 0 : i32
        %dma_wait3A_285 = arith.constant 0 : i32
        %dma_wait3A_286 = tpu.memref_slice %arg4[%dma_wait3A_284, %dma_wait3A_285] : memref<64x1000000xf32, #tpu.memory_space<hbm>> -> memref<64x128xf32, #tpu.memory_space<hbm>>
        %dma_wait3A_287 = arith.constant 0 : i32
        %dma_wait3A_288 = arith.constant 0 : i32
        %dma_wait3A_289 = tpu.memref_slice %arg12[%dma_wait3A_279, %dma_wait3A_287, %dma_wait3A_288] : memref<6x64x128xf32, #tpu.memory_space<vmem>> -> memref<1x64x128xf32, #tpu.memory_space<vmem>>
        %dma_wait3A_290 = tpu.memref_squeeze %dma_wait3A_289 : memref<1x64x128xf32, #tpu.memory_space<vmem>> -> memref<64x128xf32, #tpu.memory_space<vmem>>
        %dma_wait3A_291 = arith.constant 0 : i32
        %dma_wait3A_292 = arith.constant 0 : i32
        %dma_wait3A_293 = tpu.memref_slice %arg4[%dma_wait3A_291, %dma_wait3A_292] : memref<64x1000000xf32, #tpu.memory_space<hbm>> -> memref<64x128xf32, #tpu.memory_space<hbm>>
        tpu.wait_dma2 semaphore(%arg14 : memref<!tpu.dma_semaphore, #tpu.memory_space<semaphore_mem>>) src(%dma_wait3A_293 : memref<64x128xf32, #tpu.memory_space<hbm>>) dst(%dma_wait3A_290 : memref<64x128xf32, #tpu.memory_space<vmem>>)
        %add3A_294 = arith.constant 6 : i32
        %add3A_295 = arith.addi %squeeze3A_222, %add3A_294 : i32
        %sub3A_296 = arith.constant 1 : i32
        %sub3A_297 = arith.subi %add3A_295, %sub3A_296 : i32
        %sub3A_298 = arith.constant 1 : i32
        %sub3A_299 = arith.subi %scan3A_9, %sub3A_298 : i32
        %min3A_300 = arith.minsi %sub3A_297, %sub3A_299 : i32
        %get3A_301 = arith.index_cast %min3A_300 : i32 to index
        %get3A_302 = tpu.vector_load %arg9[%get3A_301] {strides = array<i32>} : memref<528xi32, #tpu.memory_space<vmem>>, vector<16xi32>,
        %slice3A_303 = vector.extract_strided_slice %get3A_302 {offsets = [0], sizes = [1], strides = [1]} : vector<16xi32> to vector<1xi32>
        %squeeze3A_304 = vector.extract %slice3A_303[0] : i32 from vector<1xi32>
        %multiple_of3A_305 = tpu.assume_multiple %squeeze3A_304, 128 : i32
        %rem3A_306 = arith.constant 6 : i32
        %rem3A_307 = arith.remsi %min3A_300, %rem3A_306 : i32
        %dma_start3A_308 = arith.constant 0 : i32
        %dma_start3A_309 = arith.constant 0 : i32
        %dma_start3A_310 = tpu.memref_slice %arg12[%rem3A_307, %dma_start3A_308, %dma_start3A_309] : memref<6x64x128xf32, #tpu.memory_space<vmem>> -> memref<1x64x128xf32, #tpu.memory_space<vmem>>
        %dma_start3A_311 = tpu.memref_squeeze %dma_start3A_310 : memref<1x64x128xf32, #tpu.memory_space<vmem>> -> memref<64x128xf32, #tpu.memory_space<vmem>>
        %dma_start3A_312 = arith.constant 0 : i32
        %dma_start3A_313 = tpu.memref_slice %arg4[%dma_start3A_312, %multiple_of3A_305] : memref<64x1000000xf32, #tpu.memory_space<hbm>> -> memref<64x128xf32, #tpu.memory_space<hbm>>
        %dma_start3A_314 = arith.constant 0 : i32
        %dma_start3A_315 = arith.constant 0 : i32
        %dma_start3A_316 = tpu.memref_slice %arg12[%rem3A_307, %dma_start3A_314, %dma_start3A_315] : memref<6x64x128xf32, #tpu.memory_space<vmem>> -> memref<1x64x128xf32, #tpu.memory_space<vmem>>
        %dma_start3A_317 = tpu.memref_squeeze %dma_start3A_316 : memref<1x64x128xf32, #tpu.memory_space<vmem>> -> memref<64x128xf32, #tpu.memory_space<vmem>>
        %dma_start3A_318 = arith.constant 0 : i32
        %dma_start3A_319 = tpu.memref_slice %arg4[%dma_start3A_318, %multiple_of3A_305] : memref<64x1000000xf32, #tpu.memory_space<hbm>> -> memref<64x128xf32, #tpu.memory_space<hbm>>
        tpu.enqueue_dma source(%dma_start3A_319 : memref<64x128xf32, #tpu.memory_space<hbm>>) target(%dma_start3A_317 : memref<64x128xf32, #tpu.memory_space<vmem>>) target_semaphore(%arg14 : memref<!tpu.dma_semaphore, #tpu.memory_space<semaphore_mem>>)
      } else {
      }
      %rem3A_224 = arith.constant 6 : i32
      %rem3A_225 = arith.remsi %squeeze3A_222, %rem3A_224 : i32
      %get3A_226 = arith.index_cast %scan3A_217 : i32 to index
      %get3A_227 = tpu.vector_load %arg6[%get3A_226] {strides = array<i32>} : memref<528xi32, #tpu.memory_space<vmem>>, vector<16xi32>,
      %slice3A_228 = vector.extract_strided_slice %get3A_227 {offsets = [0], sizes = [1], strides = [1]} : vector<16xi32> to vector<1xi32>
      %squeeze3A_229 = vector.extract %slice3A_228[0] : i32 from vector<1xi32>
      %rem3A_230 = arith.constant 128 : i32
      %rem3A_231 = arith.remsi %squeeze3A_229, %rem3A_230 : i32
      %broadcast_in_dim3A = vector.broadcast %rem3A_231 : i32 to vector<16xi32>
      %rem3A_232 = arith.constant 256 : i32
      %rem3A_233 = arith.remsi %scan3A_217, %rem3A_232 : i32
      %iota3A = tpu.iota {dimensions = array<i32: 0>} : vector<16xi32>
      %add3A_234 = arith.constant 0 : i32
      %add3A_235 = vector.broadcast %add3A_234 : i32 to vector<16xi32>
      %add3A_236 = arith.addi %iota3A, %add3A_235 : vector<16xi32>
      %gather3A = arith.constant 0 : i32
      %gather3A_237 = arith.constant 0 : i32
      %gather3A_238 = tpu.memref_slice %arg12[%rem3A_225, %gather3A, %gather3A_237] : memref<6x64x128xf32, #tpu.memory_space<vmem>> -> memref<1x64x128xf32, #tpu.memory_space<vmem>>
      %gather3A_239 = tpu.memref_squeeze %gather3A_238 : memref<1x64x128xf32, #tpu.memory_space<vmem>> -> memref<64x128xf32, #tpu.memory_space<vmem>>
      %gather3A_240 = tpu.vector_load_idx %gather3A_239[%add3A_236, %broadcast_in_dim3A] : memref<64x128xf32, #tpu.memory_space<vmem>>[vector<16xi32>, vector<16xi32>], vector<16xf32>,
      %swap3A = arith.index_cast %rem3A_233 : i32 to index
      %swap3A_241 = arith.constant 0 : index
      %swap3A_242 = tpu.vector_load %arg13[%swap3A, %swap3A_241] {strides = array<i32>} : memref<256x128xf32, #tpu.memory_space<vmem>>, vector<16xf32>,
      tpu.vector_store %arg13[%swap3A, %swap3A_241], %gather3A_240 {strides = array<i32>} : memref<256x128xf32, #tpu.memory_space<vmem>>, vector<16xf32>,
      %iota3A_243 = tpu.iota {dimensions = array<i32: 0>} : vector<16xi32>
      %add3A_244 = arith.constant 16 : i32
      %add3A_245 = vector.broadcast %add3A_244 : i32 to vector<16xi32>
      %add3A_246 = arith.addi %iota3A_243, %add3A_245 : vector<16xi32>
      %gather3A_247 = arith.constant 0 : i32
      %gather3A_248 = arith.constant 0 : i32
      %gather3A_249 = tpu.memref_slice %arg12[%rem3A_225, %gather3A_247, %gather3A_248] : memref<6x64x128xf32, #tpu.memory_space<vmem>> -> memref<1x64x128xf32, #tpu.memory_space<vmem>>
      %gather3A_250 = tpu.memref_squeeze %gather3A_249 : memref<1x64x128xf32, #tpu.memory_space<vmem>> -> memref<64x128xf32, #tpu.memory_space<vmem>>
      %gather3A_251 = tpu.vector_load_idx %gather3A_250[%add3A_246, %broadcast_in_dim3A] : memref<64x128xf32, #tpu.memory_space<vmem>>[vector<16xi32>, vector<16xi32>], vector<16xf32>,
      %swap3A_252 = arith.index_cast %rem3A_233 : i32 to index
      %swap3A_253 = arith.constant 16 : index
      %swap3A_254 = tpu.vector_load %arg13[%swap3A_252, %swap3A_253] {strides = array<i32>} : memref<256x128xf32, #tpu.memory_space<vmem>>, vector<16xf32>,
      tpu.vector_store %arg13[%swap3A_252, %swap3A_253], %gather3A_251 {strides = array<i32>} : memref<256x128xf32, #tpu.memory_space<vmem>>, vector<16xf32>,
      %iota3A_255 = tpu.iota {dimensions = array<i32: 0>} : vector<16xi32>
      %add3A_256 = arith.constant 32 : i32
      %add3A_257 = vector.broadcast %add3A_256 : i32 to vector<16xi32>
      %add3A_258 = arith.addi %iota3A_255, %add3A_257 : vector<16xi32>
      %gather3A_259 = arith.constant 0 : i32
      %gather3A_260 = arith.constant 0 : i32
      %gather3A_261 = tpu.memref_slice %arg12[%rem3A_225, %gather3A_259, %gather3A_260] : memref<6x64x128xf32, #tpu.memory_space<vmem>> -> memref<1x64x128xf32, #tpu.memory_space<vmem>>
      %gather3A_262 = tpu.memref_squeeze %gather3A_261 : memref<1x64x128xf32, #tpu.memory_space<vmem>> -> memref<64x128xf32, #tpu.memory_space<vmem>>
      %gather3A_263 = tpu.vector_load_idx %gather3A_262[%add3A_258, %broadcast_in_dim3A] : memref<64x128xf32, #tpu.memory_space<vmem>>[vector<16xi32>, vector<16xi32>], vector<16xf32>,
      %swap3A_264 = arith.index_cast %rem3A_233 : i32 to index
      %swap3A_265 = arith.constant 32 : index
      %swap3A_266 = tpu.vector_load %arg13[%swap3A_264, %swap3A_265] {strides = array<i32>} : memref<256x128xf32, #tpu.memory_space<vmem>>, vector<16xf32>,
      tpu.vector_store %arg13[%swap3A_264, %swap3A_265], %gather3A_263 {strides = array<i32>} : memref<256x128xf32, #tpu.memory_space<vmem>>, vector<16xf32>,
      %iota3A_267 = tpu.iota {dimensions = array<i32: 0>} : vector<16xi32>
      %add3A_268 = arith.constant 48 : i32
      %add3A_269 = vector.broadcast %add3A_268 : i32 to vector<16xi32>
      %add3A_270 = arith.addi %iota3A_267, %add3A_269 : vector<16xi32>
      %gather3A_271 = arith.constant 0 : i32
      %gather3A_272 = arith.constant 0 : i32
      %gather3A_273 = tpu.memref_slice %arg12[%rem3A_225, %gather3A_271, %gather3A_272] : memref<6x64x128xf32, #tpu.memory_space<vmem>> -> memref<1x64x128xf32, #tpu.memory_space<vmem>>
      %gather3A_274 = tpu.memref_squeeze %gather3A_273 : memref<1x64x128xf32, #tpu.memory_space<vmem>> -> memref<64x128xf32, #tpu.memory_space<vmem>>
      %gather3A_275 = tpu.vector_load_idx %gather3A_274[%add3A_270, %broadcast_in_dim3A] : memref<64x128xf32, #tpu.memory_space<vmem>>[vector<16xi32>, vector<16xi32>], vector<16xf32>,
      %swap3A_276 = arith.index_cast %rem3A_233 : i32 to index
      %swap3A_277 = arith.constant 48 : index
      %swap3A_278 = tpu.vector_load %arg13[%swap3A_276, %swap3A_277] {strides = array<i32>} : memref<256x128xf32, #tpu.memory_space<vmem>>, vector<16xf32>,
      tpu.vector_store %arg13[%swap3A_276, %swap3A_277], %gather3A_275 {strides = array<i32>} : memref<256x128xf32, #tpu.memory_space<vmem>>, vector<16xf32>,
      scf.yield %squeeze3A_222 : i32
    }
    %scan3A_135 = arith.constant 256 : i32
    %dma_start3A_136 = arith.constant 0 : i32
    %dma_start3A_137 = arith.constant 0 : i32
    %dma_start3A_138 = tpu.memref_slice %arg5[%dma_start3A_136, %dma_start3A_137] : memref<16384x128xf32, #tpu.memory_space<hbm>> -> memref<16384x128xf32, #tpu.memory_space<hbm>>
    tpu.enqueue_indirect_dma source(%arg13 : memref<256x128xf32, #tpu.memory_space<vmem>>) target(%dma_start3A_138 : memref<16384x128xf32, #tpu.memory_space<hbm>>) offsets(%arg11 : memref<256xi32, #tpu.memory_space<vmem>>) semaphore(%arg15 : memref<!tpu.dma_semaphore, #tpu.memory_space<semaphore_mem>>)
    %dma_wait3A_139 = arith.constant 0 : i32
    %dma_wait3A_140 = arith.constant 0 : i32
    %dma_wait3A_141 = tpu.memref_slice %arg5[%dma_wait3A_139, %dma_wait3A_140] : memref<16384x128xf32, #tpu.memory_space<hbm>> -> memref<16384x128xf32, #tpu.memory_space<hbm>>
    tpu.wait_indirect_dma semaphore(%arg15 : memref<!tpu.dma_semaphore, #tpu.memory_space<semaphore_mem>>) src(%arg13 : memref<256x128xf32, #tpu.memory_space<vmem>>) dst(%dma_wait3A_141 : memref<16384x128xf32, #tpu.memory_space<hbm>>)
    %dma_wait3A_142 = arith.constant 0 : i32
    %dma_wait3A_143 = arith.constant 0 : i32
    %dma_wait3A_144 = arith.constant 0 : i32
    %dma_wait3A_145 = tpu.memref_slice %arg12[%dma_wait3A_142, %dma_wait3A_143, %dma_wait3A_144] : memref<6x64x128xf32, #tpu.memory_space<vmem>> -> memref<1x64x128xf32, #tpu.memory_space<vmem>>
    %dma_wait3A_146 = tpu.memref_squeeze %dma_wait3A_145 : memref<1x64x128xf32, #tpu.memory_space<vmem>> -> memref<64x128xf32, #tpu.memory_space<vmem>>
    %dma_wait3A_147 = arith.constant 0 : i32
    %dma_wait3A_148 = arith.constant 0 : i32
    %dma_wait3A_149 = tpu.memref_slice %arg4[%dma_wait3A_147, %dma_wait3A_148] : memref<64x1000000xf32, #tpu.memory_space<hbm>> -> memref<64x128xf32, #tpu.memory_space<hbm>>
    %dma_wait3A_150 = arith.constant 0 : i32
    %dma_wait3A_151 = arith.constant 0 : i32
    %dma_wait3A_152 = tpu.memref_slice %arg12[%dma_wait3A_142, %dma_wait3A_150, %dma_wait3A_151] : memref<6x64x128xf32, #tpu.memory_space<vmem>> -> memref<1x64x128xf32, #tpu.memory_space<vmem>>
    %dma_wait3A_153 = tpu.memref_squeeze %dma_wait3A_152 : memref<1x64x128xf32, #tpu.memory_space<vmem>> -> memref<64x128xf32, #tpu.memory_space<vmem>>
    %dma_wait3A_154 = arith.constant 0 : i32
    %dma_wait3A_155 = arith.constant 0 : i32
    %dma_wait3A_156 = tpu.memref_slice %arg4[%dma_wait3A_154, %dma_wait3A_155] : memref<64x1000000xf32, #tpu.memory_space<hbm>> -> memref<64x128xf32, #tpu.memory_space<hbm>>
    tpu.wait_dma2 semaphore(%arg14 : memref<!tpu.dma_semaphore, #tpu.memory_space<semaphore_mem>>) src(%dma_wait3A_156 : memref<64x128xf32, #tpu.memory_space<hbm>>) dst(%dma_wait3A_153 : memref<64x128xf32, #tpu.memory_space<vmem>>)
    %dma_wait3A_157 = arith.constant 0 : i32
    %dma_wait3A_158 = arith.constant 0 : i32
    %dma_wait3A_159 = arith.constant 0 : i32
    %dma_wait3A_160 = tpu.memref_slice %arg12[%dma_wait3A_157, %dma_wait3A_158, %dma_wait3A_159] : memref<6x64x128xf32, #tpu.memory_space<vmem>> -> memref<1x64x128xf32, #tpu.memory_space<vmem>>
    %dma_wait3A_161 = tpu.memref_squeeze %dma_wait3A_160 : memref<1x64x128xf32, #tpu.memory_space<vmem>> -> memref<64x128xf32, #tpu.memory_space<vmem>>
    %dma_wait3A_162 = arith.constant 0 : i32
    %dma_wait3A_163 = arith.constant 0 : i32
    %dma_wait3A_164 = tpu.memref_slice %arg4[%dma_wait3A_162, %dma_wait3A_163] : memref<64x1000000xf32, #tpu.memory_space<hbm>> -> memref<64x128xf32, #tpu.memory_space<hbm>>
    %dma_wait3A_165 = arith.constant 0 : i32
    %dma_wait3A_166 = arith.constant 0 : i32
    %dma_wait3A_167 = tpu.memref_slice %arg12[%dma_wait3A_157, %dma_wait3A_165, %dma_wait3A_166] : memref<6x64x128xf32, #tpu.memory_space<vmem>> -> memref<1x64x128xf32, #tpu.memory_space<vmem>>
    %dma_wait3A_168 = tpu.memref_squeeze %dma_wait3A_167 : memref<1x64x128xf32, #tpu.memory_space<vmem>> -> memref<64x128xf32, #tpu.memory_space<vmem>>
    %dma_wait3A_169 = arith.constant 0 : i32
    %dma_wait3A_170 = arith.constant 0 : i32
    %dma_wait3A_171 = tpu.memref_slice %arg4[%dma_wait3A_169, %dma_wait3A_170] : memref<64x1000000xf32, #tpu.memory_space<hbm>> -> memref<64x128xf32, #tpu.memory_space<hbm>>
    tpu.wait_dma2 semaphore(%arg14 : memref<!tpu.dma_semaphore, #tpu.memory_space<semaphore_mem>>) src(%dma_wait3A_171 : memref<64x128xf32, #tpu.memory_space<hbm>>) dst(%dma_wait3A_168 : memref<64x128xf32, #tpu.memory_space<vmem>>)
    %dma_wait3A_172 = arith.constant 0 : i32
    %dma_wait3A_173 = arith.constant 0 : i32
    %dma_wait3A_174 = arith.constant 0 : i32
    %dma_wait3A_175 = tpu.memref_slice %arg12[%dma_wait3A_172, %dma_wait3A_173, %dma_wait3A_174] : memref<6x64x128xf32, #tpu.memory_space<vmem>> -> memref<1x64x128xf32, #tpu.memory_space<vmem>>
    %dma_wait3A_176 = tpu.memref_squeeze %dma_wait3A_175 : memref<1x64x128xf32, #tpu.memory_space<vmem>> -> memref<64x128xf32, #tpu.memory_space<vmem>>
    %dma_wait3A_177 = arith.constant 0 : i32
    %dma_wait3A_178 = arith.constant 0 : i32
    %dma_wait3A_179 = tpu.memref_slice %arg4[%dma_wait3A_177, %dma_wait3A_178] : memref<64x1000000xf32, #tpu.memory_space<hbm>> -> memref<64x128xf32, #tpu.memory_space<hbm>>
    %dma_wait3A_180 = arith.constant 0 : i32
    %dma_wait3A_181 = arith.constant 0 : i32
    %dma_wait3A_182 = tpu.memref_slice %arg12[%dma_wait3A_172, %dma_wait3A_180, %dma_wait3A_181] : memref<6x64x128xf32, #tpu.memory_space<vmem>> -> memref<1x64x128xf32, #tpu.memory_space<vmem>>
    %dma_wait3A_183 = tpu.memref_squeeze %dma_wait3A_182 : memref<1x64x128xf32, #tpu.memory_space<vmem>> -> memref<64x128xf32, #tpu.memory_space<vmem>>
    %dma_wait3A_184 = arith.constant 0 : i32
    %dma_wait3A_185 = arith.constant 0 : i32
    %dma_wait3A_186 = tpu.memref_slice %arg4[%dma_wait3A_184, %dma_wait3A_185] : memref<64x1000000xf32, #tpu.memory_space<hbm>> -> memref<64x128xf32, #tpu.memory_space<hbm>>
    tpu.wait_dma2 semaphore(%arg14 : memref<!tpu.dma_semaphore, #tpu.memory_space<semaphore_mem>>) src(%dma_wait3A_186 : memref<64x128xf32, #tpu.memory_space<hbm>>) dst(%dma_wait3A_183 : memref<64x128xf32, #tpu.memory_space<vmem>>)
    %dma_wait3A_187 = arith.constant 0 : i32
    %dma_wait3A_188 = arith.constant 0 : i32
    %dma_wait3A_189 = arith.constant 0 : i32
    %dma_wait3A_190 = tpu.memref_slice %arg12[%dma_wait3A_187, %dma_wait3A_188, %dma_wait3A_189] : memref<6x64x128xf32, #tpu.memory_space<vmem>> -> memref<1x64x128xf32, #tpu.memory_space<vmem>>
    %dma_wait3A_191 = tpu.memref_squeeze %dma_wait3A_190 : memref<1x64x128xf32, #tpu.memory_space<vmem>> -> memref<64x128xf32, #tpu.memory_space<vmem>>
    %dma_wait3A_192 = arith.constant 0 : i32
    %dma_wait3A_193 = arith.constant 0 : i32
    %dma_wait3A_194 = tpu.memref_slice %arg4[%dma_wait3A_192, %dma_wait3A_193] : memref<64x1000000xf32, #tpu.memory_space<hbm>> -> memref<64x128xf32, #tpu.memory_space<hbm>>
    %dma_wait3A_195 = arith.constant 0 : i32
    %dma_wait3A_196 = arith.constant 0 : i32
    %dma_wait3A_197 = tpu.memref_slice %arg12[%dma_wait3A_187, %dma_wait3A_195, %dma_wait3A_196] : memref<6x64x128xf32, #tpu.memory_space<vmem>> -> memref<1x64x128xf32, #tpu.memory_space<vmem>>
    %dma_wait3A_198 = tpu.memref_squeeze %dma_wait3A_197 : memref<1x64x128xf32, #tpu.memory_space<vmem>> -> memref<64x128xf32, #tpu.memory_space<vmem>>
    %dma_wait3A_199 = arith.constant 0 : i32
    %dma_wait3A_200 = arith.constant 0 : i32
    %dma_wait3A_201 = tpu.memref_slice %arg4[%dma_wait3A_199, %dma_wait3A_200] : memref<64x1000000xf32, #tpu.memory_space<hbm>> -> memref<64x128xf32, #tpu.memory_space<hbm>>
    tpu.wait_dma2 semaphore(%arg14 : memref<!tpu.dma_semaphore, #tpu.memory_space<semaphore_mem>>) src(%dma_wait3A_201 : memref<64x128xf32, #tpu.memory_space<hbm>>) dst(%dma_wait3A_198 : memref<64x128xf32, #tpu.memory_space<vmem>>)
    %dma_wait3A_202 = arith.constant 0 : i32
    %dma_wait3A_203 = arith.constant 0 : i32
    %dma_wait3A_204 = arith.constant 0 : i32
    %dma_wait3A_205 = tpu.memref_slice %arg12[%dma_wait3A_202, %dma_wait3A_203, %dma_wait3A_204] : memref<6x64x128xf32, #tpu.memory_space<vmem>> -> memref<1x64x128xf32, #tpu.memory_space<vmem>>
    %dma_wait3A_206 = tpu.memref_squeeze %dma_wait3A_205 : memref<1x64x128xf32, #tpu.memory_space<vmem>> -> memref<64x128xf32, #tpu.memory_space<vmem>>
    %dma_wait3A_207 = arith.constant 0 : i32
    %dma_wait3A_208 = arith.constant 0 : i32
    %dma_wait3A_209 = tpu.memref_slice %arg4[%dma_wait3A_207, %dma_wait3A_208] : memref<64x1000000xf32, #tpu.memory_space<hbm>> -> memref<64x128xf32, #tpu.memory_space<hbm>>
    %dma_wait3A_210 = arith.constant 0 : i32
    %dma_wait3A_211 = arith.constant 0 : i32
    %dma_wait3A_212 = tpu.memref_slice %arg12[%dma_wait3A_202, %dma_wait3A_210, %dma_wait3A_211] : memref<6x64x128xf32, #tpu.memory_space<vmem>> -> memref<1x64x128xf32, #tpu.memory_space<vmem>>
    %dma_wait3A_213 = tpu.memref_squeeze %dma_wait3A_212 : memref<1x64x128xf32, #tpu.memory_space<vmem>> -> memref<64x128xf32, #tpu.memory_space<vmem>>
    %dma_wait3A_214 = arith.constant 0 : i32
    %dma_wait3A_215 = arith.constant 0 : i32
    %dma_wait3A_216 = tpu.memref_slice %arg4[%dma_wait3A_214, %dma_wait3A_215] : memref<64x1000000xf32, #tpu.memory_space<hbm>> -> memref<64x128xf32, #tpu.memory_space<hbm>>
    tpu.wait_dma2 semaphore(%arg14 : memref<!tpu.dma_semaphore, #tpu.memory_space<semaphore_mem>>) src(%dma_wait3A_216 : memref<64x128xf32, #tpu.memory_space<hbm>>) dst(%dma_wait3A_213 : memref<64x128xf32, #tpu.memory_space<vmem>>)
    return
  }
}

</mosaic_0001>

<sc_bundles>
// kernel: gather_offload_async_start
scs
__scs_entry_jumppad:
0x0: {  	(pc) =	sbr.rel $0x88, $3  }
0x1: {  	(tag) =	ssettag $0x0;
	lr =	simm.s32 $0x1  }
0x2: {  	[smem:$0x3F9F] =	sst lr;
	_ =	strace $0xD0000000  }
0x3: {  	_ = 	snop  }
0x4: {  	_ = 	snop  }
0x5: {  	_ = 	snop  }
0x6: {  	_ = 	snop  }
0x7: {  	_ = 	snop  }
__scs_overlays_trampoline_lowered:
0x8: {  	[smem:$0x3FAE] =	sst s0  }
0x9: {  	[smem:$0x3FAF] =	sst s1  }
0xa: {  	[smem:$0x3FB0] =	sst s2  }
0xb: {  	[smem:$0x3FB1] =	sst s3  }
0xc: {  	[smem:$0x3FB2] =	sst s4  }
0xd: {  	[smem:$0x3FB3] =	sst s5  }
0xe: {  	[smem:$0x3FB4] =	sst s6  }
0xf: {  	[smem:$0x3FB5] =	sst s7  }
0x10: {  	[smem:$0x3FB6] =	sst s8  }
0x11: {  	[smem:$0x3FB7] =	sst s9;
	s0 =	simm.s32 @!p0 $0x0  }
0x12: {  	s1 =	sld [smem:$0x3F9D];
	s0 =	simm.s32 @p0 $0x1  }
0x13: {  	[smem:$0x3FB8] =	sst s0;
	s0 =	simm.s32 @!p1 $0x0  }
0x14: {  	s2 =	sld [smem:$0x3F9C];
	s0 =	simm.s32 @p1 $0x1  }
0x15: {  	[smem:$0x3FB9] =	sst s0;
	s0 =	simm.s32 @!p2 $0x0  }
0x16: {  	s3 =	sld [smem:$0x3FDB];
	s0 =	simm.s32 @p2 $0x1  }
0x17: {  	s4 =	simm.s32 $0x1BF5;
	[smem:$0x3FBB] =	sst s0  }
0x18: {  	s0 =	sld [smem:$0x3F9E];
	_ =	swait.ge [sflag:s4], $0x0  }
0x19: {  	s7 =	sld [smem:$0x3F9F]  }
0x1a: {  	s8 =	sadd.s32 $0xFFFFE003, lr  }
0x1b: {  	s9 =	sadd.s32 $0xFFFFFEF7, lr;
	s5 =	simm.s32 $0xFFFFFFFF;
	p2 =	slt.u32 s8, $0xFFFFF086  }
0x1c: {  	p1 =	slt.u32 s9, $0xF7A;
	s5 =	simm.s32 @!p2 $0x0  }
0x1d: {  	s5 =	simm.s32 @p1 $0x1;
	p0 =	seq.s32 s7, s2  }
0x1e: {  	s7 =	smul.u32 @!p0 $0xF7A, s2;
	p2 =	seq.s32 @!p0 s5, $0x0  }
0x1f: {  	s9 =	smul.u32 $0xF7A, s1;
	s8 =	simm.s32 @!p0 $0x1BF5;
	p2 =	por !p2, p0  }
0x20: {  	[sflag:s8] =	ssyncset.s32 @!p0 $0xFFFFF086;
	s6 =	sadd.s32 @!p0 s3, s7;
	s7 =	simm.s32 @!p0 $0x108  }
0x21: {  	s3 =	sadd.s32 s3, s9;
	s6 =	sadd.s32 @!p0 $0x88, s6;
	s7 =	simm.s32 @p2 $0x1082  }
0x22: {  	[simem:s7], [sflag:s8] =	dma.local @!p0 [hbm:s6], $0xF7A  }
0x23: {  	s9 =	sor.u32 $0xD0000000, s2;
	s6 =	simm.s32 $0x108;
	_ =	swait.ge @!p0 [sflag:s8], $0x0  }
0x24: {  	s3 =	sadd.s32 $0x88, s3;
	s6 =	simm.s32 @!p1 $0x1082;
	[sflag:s4] =	ssyncset.s32 $0xFFFFF086  }
0x25: {  	[simem:s6], [sflag:s4] =	dma.local [hbm:s3], $0xF7A  }
0x26: {  	[smem:$0x3F9F] =	sst s1;
	(tag) =	ssettag s2;
	_ =	strace s9  }
0x27: {  	s1 =	sld [smem:$0x3FAF]  }
0x28: {  	s2 =	sld [smem:$0x3FB0]  }
0x29: {  	s4 =	sld [smem:$0x3FB2]  }
0x2a: {  	p0 =	seq.s32 s5, $0x0;
	s5 =	sld [smem:$0x3FB3]  }
0x2b: {  	s6 =	sld [smem:$0x3FB4]  }
0x2c: {  	s7 =	sld [smem:$0x3FB5]  }
0x2d: {  	s3 =	simm.s32 $0x108;
	s8 =	sld [smem:$0x3FB6]  }
0x2e: {  	s3 =	simm.s32 @!p0 $0x1082;
	s9 =	sld [smem:$0x3FB7]  }
0x2f: {  	lr =	sadd.s32 s0, s3;
	s0 =	sld [smem:$0x3FAE]  }
0x30: {  	s3 =	sld [smem:$0x3FB1]  }
0x31: {  	[smem:$0x3FBA] =	sst s10  }
0x32: {  	s10 =	sld [smem:$0x3FB8];
	_ =	sdelay $0x3  }
0x33: {  	p0 =	seq.s32 s10, $0x1;
	s10 =	sld [smem:$0x3FBA];
	_ =	sdelay $0x3  }
0x34: {  	[smem:$0x3FBA] =	sst s10  }
0x35: {  	s10 =	sld [smem:$0x3FB9];
	_ =	sdelay $0x3  }
0x36: {  	p1 =	seq.s32 s10, $0x1;
	s10 =	sld [smem:$0x3FBA];
	_ =	sdelay $0x3  }
0x37: {  	[smem:$0x3FBA] =	sst s10  }
0x38: {  	s10 =	sld [smem:$0x3FBB]  }
0x39: {  	_ = 	snop;
	(pc) =	sbr.ind lr, $3  }
0x3a: {  	_ = 	snop  }
0x3b: {  	_ = 	snop  }
0x3c: {  	p2 =	seq.s32 s10, $0x1;
	s10 =	sld [smem:$0x3FBA]  }
0x3d: {  	_ =	shalt  }
0x3e: {  	_ =	shalt  }
0x3f: {  	_ =	shalt  }
0x40: {  	_ =	shalt  }
0x41: {  	_ =	shalt  }
0x42: {  	_ =	shalt  }
0x43: {  	_ =	shalt  }
0x44: {  	_ =	shalt  }
0x45: {  	_ =	shalt  }
0x46: {  	_ =	shalt  }
0x47: {  	_ =	shalt  }
0x48: {  	_ =	shalt  }
0x49: {  	_ =	shalt  }
0x4a: {  	_ =	shalt  }
0x4b: {  	_ =	shalt  }
0x4c: {  	_ =	shalt  }
0x4d: {  	_ =	shalt  }
0x4e: {  	_ =	shalt  }
0x4f: {  	_ =	shalt  }
0x50: {  	_ =	shalt  }
0x51: {  	_ =	shalt  }
0x52: {  	_ =	shalt  }
0x53: {  	_ =	shalt  }
0x54: {  	_ =	shalt  }
0x55: {  	_ =	shalt  }
0x56: {  	_ =	shalt  }
0x57: {  	_ =	shalt  }
0x58: {  	_ =	shalt  }
0x59: {  	_ =	shalt  }
0x5a: {  	_ =	shalt  }
0x5b: {  	_ =	shalt  }
0x5c: {  	_ =	shalt  }
0x5d: {  	_ =	shalt  }
0x5e: {  	_ =	shalt  }
0x5f: {  	_ =	shalt  }
0x60: {  	_ =	shalt  }
0x61: {  	_ =	shalt  }
0x62: {  	_ =	shalt  }
0x63: {  	_ =	shalt  }
0x64: {  	_ =	shalt  }
0x65: {  	_ =	shalt  }
0x66: {  	_ =	shalt  }
0x67: {  	_ =	shalt  }
0x68: {  	_ =	shalt  }
0x69: {  	_ =	shalt  }
0x6a: {  	_ =	shalt  }
0x6b: {  	_ =	shalt  }
0x6c: {  	_ =	shalt  }
0x6d: {  	_ =	shalt  }
0x6e: {  	_ =	shalt  }
0x6f: {  	_ =	shalt  }
0x70: {  	_ =	shalt  }
0x71: {  	_ =	shalt  }
0x72: {  	_ =	shalt  }
0x73: {  	_ =	shalt  }
0x74: {  	_ =	shalt  }
0x75: {  	_ =	shalt  }
0x76: {  	_ =	shalt  }
0x77: {  	_ =	shalt  }
0x78: {  	_ =	shalt  }
0x79: {  	_ =	shalt  }
0x7a: {  	_ =	shalt  }
0x7b: {  	_ =	shalt  }
0x7c: {  	_ =	shalt  }
0x7d: {  	_ =	shalt  }
0x7e: {  	_ =	shalt  }
0x7f: {  	_ =	shalt  }
0x80: {  	_ =	shalt  }
0x81: {  	_ =	shalt  }
0x82: {  	_ =	shalt  }
0x83: {  	_ =	shalt  }
0x84: {  	_ =	shalt  }
0x85: {  	_ =	shalt  }
0x86: {  	_ =	shalt  }
0x87: {  	_ =	shalt  }
.Lfunc_end0:
.L_simem_size_0:
called_computation_lowered:
.L_overlay_start_0:
0x88: {  	s2 =	sld [smem:$0x3FD9]  }
0x89: {  	s3 =	sld [smem:$0x3FFE];
	_ =	sdelay $0x1  }
0x8a: {  	s1 =	srdreg.scid  }
0x8b: {  	s0 =	sand.u32 $0x1, s1  }
0x8c: {  	s17 =	sshll.u32 s0, $0xA;
	s2 =	sadd.s32 s3, s2  }
0x8d: {  	s2 =	sadd.s32 s2, s17  }
0x8e: {  	[smem:$0x3FC6] =	sst s2  }
0x8f: {  	_ = 	snop  }
0x90: {  	s2 =	sld [smem:$0x3FC9]  }
0x91: {  	s18 =	sld [smem:$0x3FD0];
	(tm) =	ssettm $0x1  }
0x92: {  	s4 =	sld [smem:$0x3FFB];
	_ =	sdelay $0x3  }
0x93: {  	_ =	strace s4  }
0x94: {  	s4 =	sld [smem:$0x3FFC];
	_ =	sdelay $0x3  }
0x95: {  	_ =	strace s4  }
0x96: {  	s4 =	sld [smem:$0x3FFD];
	_ =	sdelay $0x3  }
0x97: {  	_ =	strace s4  }
0x98: {  	_ =	strace $0x8FFFFFFF  }
0x99: {  	s19 =	sld [smem:$0x3FDB];
	_ =	sdelay $0x1  }
0x9a: {  	s5 =	simm.s32 $_scs_section_size  }
0x9b: {  	s6 =	simm.s32 $_size__tile_overlayer_lowered;
	s7 =	simm.s32 $_tile_overlayer_lowered  }
0x9c: {  	s22 =	simm.s32 $0x1BFF;
	s21 =	sshll.u32 s7, $0x1;
	s4 =	sadd.s32 s5, s19  }
0x9d: {  	s8 =	simm.s32 $0x0;
	s20 =	sshll.u32 s6, $0x1;
	s6 =	sadd.s32 s21, s4  }
0x9e: {  	[timem:s8], [sflag:s22] =	dma.local [hbm:s6], s20  }
0x9f: {  	_ =	swait.ge [sflag:s22], s20  }
0xa0: {  	s5 =	ssub.s32 $0x0, s20;
	[sflag:s22] =	ssyncset.done $0x0  }
0xa1: {  	[sflag:s22] =	ssyncadd.s32 s5;
	_ =	sdelay $0x1  }
0xa2: {  	s23 =	simm.s32 $0x1B8B  }
0xa3: {  	_ =	swait.ge [sflag:s23], $0x1  }
0xa4: {  	[sflag:s23] =	ssyncset.done $0x0  }
0xa5: {  	s25 =	simm.s32 $0x1B8E;
	s24 =	sld [smem:$0x3FFE];
	[sflag:s23] =	ssyncadd.s32 $0xFFFFFFFF  }
0xa6: {  	s26 =	simm.s32 $execute0_lowered;
	[smem:$0x3FD2] =	sst s25  }
0xa7: {  	s6 =	sshll.u32 s26, $0x1;
	_ =	strace $0x80000046;
	[dreg:$0x1] =	wrdreg $0xFFFFFFFF  }
0xa8: {  	s28 =	simm.s32 $_size_execute0_lowered;
	s4 =	sadd.s32 s4, s6;
	[dreg:$0x0] =	wrdreg $0x0  }
0xa9: {  	s6 =	sshll.u32 s28, $0x1;
	[dreg:$0x2] =	wrdreg s4  }
0xaa: {  	[dreg:$0x3] =	wrdreg s6  }
0xab: {  	[dreg:$0x4] =	wrdreg $0xC0  }
0xac: {  	_ =	task [dreg:s8], $0x5FFFF  }
0xad: {  	[dreg:$0x1] =	wrdreg $0xFFFFFFFF  }
0xae: {  	[dreg:$0x0] =	wrdreg $0x60  }
0xaf: {  	[dreg:$0x2] =	wrdreg s2  }
0xb0: {  	[dreg:$0x3] =	wrdreg s18  }
0xb1: {  	[dreg:$0x4] =	wrdreg s24  }
0xb2: {  	[dreg:$0x5] =	wrdreg $0x9  }
0xb3: {  	_ =	task.clear_ibuf [dreg:s8], $0x6FFFF;
	_ =	strace $0x90000046  }
0xb4: {  	s29 =	simm.s32 $0x9;
	_ =	strace $0x80000048  }
0xb5: {  	_ =	swait.ge [sflag:s29], $0x1  }
0xb6: {  	[sflag:s29] =	ssyncadd.s32 $0xFFFFFFFF  }
0xb7: {  	_ =	strace $0x90000048  }
0xb8: {  	_ =	sfence  }
0xb9: {  	s30 =	sld [smem:$0x0];
	_ =	sdelay $0x2  }
0xba: {  	s31 =	sshll.u32 s1, $0xD;
	s1 =	sshrl.u32 s1, $0x2  }
0xbb: {  	s3 =	sand.u32 $0x4000, s31;
	s1 =	sadd.s32 s1, s30  }
0xbc: {  	s0 =	sor.u32 s3, s0;
	s1 =	sshll.u32 s1, $0x11  }
0xbd: {  	s0 =	sor.u32 s1, s0  }
0xbe: {  	s0 =	sadd.s32 $0x8F2B, s0  }
0xbf: {  	[sflag:s0] =	ssyncadd.remote.s32 $0x1  }
0xc0: {  	_ =	sfence.sel $0xFFFF  }
0xc1: {  	[dreg:$0x0] =	wrdreg $0xFFFFFFFF;
	(pc) =	sbr.abs _section_cstart, $3  }
0xc2: {  	[dreg:$0x1] =	wrdreg $0xFFFFFFFF  }
0xc3: {  	_ =	task.clear_ibuf [dreg:s8], $0x2FFFF;
	_ =	strace $0x9FFFFFFF  }
0xc4: {  	(tm) =	ssettm $0x7FFFFFFF  }
0xc5: {  	_ =	shalt  }
tec
execute0_lowered:
.L_overlay_start_1:
0x0: {  	(tag) =	ssettag $0x1  }
0x1: {  	s2 =	rddreg [dreg:$0x0]  }
0x2: {  	s1 =	srdreg.scid;
	s3 =	rddreg [dreg:$0x1]  }
0x3: {  	s0 =	stileid.u32;
	s5 =	rddreg [dreg:$0x2]  }
0x4: {  	s9 =	simm.s32 $0x1;
	s10 =	simm.s32 $0x3;
	s1 =	sshll.u32 s1, $0x8  }
0x5: {  	s13 =	simm.s32 $0x0;
	s4 =	sshll.u32 s0, $0x9;
	s6 =	sand.u32 $0x100, s1  }
0x6: {  	s12 =	simm.s32 $0x0;
	s5 =	sadd.s32 $0x800, s5;
	s4 =	sor.u32 s4, s6  }
0x7: {  	s1 =	rddreg [dreg:$0x3];
	_ =	strace $0x80000047;
	s8 =	ssub.s32 $0x4000, s4  }
.Ltmp0:
0x8: {  	s6 =	simm.s32 $0x1;
	s7 =	sand.u32 $0x1F00, s8;
	(pc) =	sbr.rel .LBB2_1-.Ltmp0, $4  }
0x9: {  	[sflag:s6] =	ssyncpa.u1 $0x0;
	s11 =	smov.u32 s4;
	p0 =	sne.s32 s7, $0x0  }
0xa: {  	s8 =	sshrl.u32 s8, $0xD;
	s7 =	simm.s32 $0x2;
	s9 =	simm.s32 @!p0 $0x0  }
0xb: {  	[sflag:s7] =	ssyncpa.u1 $0x0;
	p0 =	por $0x0, $0x0;
	s8 =	sadd.s32 s9, s8  }
0xc: {  	vm0 =	vmmov $0xffff;
	[sflag:s10] =	ssyncpa.u1 $0x0;
	s10 =	simm.s32 $0x0;
	s9 =	sadd.s32 $0x1, s8  }
.LBB2_4:
0xd: {  	v2 =	vnsel vm1, $0x0, v2  }
0xe: {  	vm1 =	vgt.s32 v0, $0x0;
	v2 =	vmin.u32 v2, $0x3FFF  }
0xf: {  	v0 =	vnsel vm1, $0x0, v0  }
0x10: {  	v0 =	vmin.u32 v0, $0x3FFF  }
0x11: {  	[tilespmem:s15], [sflag:$0x1] =	stream.indirect_vreg.gather [hbm4b:s2+s10], $0x1, v1, vm0, $0x4038;
	[tilespmem:$0x400] =	vst v63  }
0x12: {  	(ifvalue) =	ssetifvalue $0x7FFFFFFF  }
0x13: {  	[tilespmem:s16], [sflag:$0x1] =	stream.indirect_vreg.gather [hbm4b:s2+s10], $0x1, v2, vm0, $0x4038;
	[tilespmem:$0x400] =	vst v63  }
0x14: {  	s29 =	sadd.s32 $0x10, s16;
	(ifvalue) =	ssetifvalue $0x7FFFFFFF  }
0x15: {  	[tilespmem:s29], [sflag:$0x1] =	stream.indirect_vreg.gather [hbm4b:s2+s10], $0x1, v0, vm0, $0x4038;
	[tilespmem:$0x400] =	vst v63  }
0x16: {  	_ =	swait.ge [sflag:s6], $0x100  }
0x17: {  	s30 =	sshrl.u32 s13, $0x3;
	[sflag:s6] =	ssyncset.done $0x0  }
0x18: {  	s31 =	sand.u32 $0x7, s13;
	s15 =	sadd.s32 s5, s30;
	[sflag:s6] =	ssyncadd.s32 $0xFFFFFF00  }
0x19: {  	[hbm4b:s15+s31] =	stream.linear.scatter [tilespmem:s14], [sflag:$0x3], $0x100, $0x38;
	[tilespmem:$0x400] =	vst v63  }
.LBB2_5:
0x1a: {  	s15 =	sadd.s32 $0x2000, s11  }
0x1b: {  	p2 =	sgt.s32 s15, $0x3FFF  }
0x1c: {  	s15 =	smov.u32 @p2 s4;
	p2 =	sne.s32 s12, s9  }
.Ltmp1:
0x1d: {  	p1 =	slt.u32 s12, $0x2;
	(pc) =	sbr.rel @!p2 .LBB2_6-.Ltmp1, $4  }
0x1e: {  	s14 =	simm.s32 @!p1 $0x3  }
0x1f: {  	s16 =	sadd.s32 $0x1, s12;
	_ =	swait.ge @!p1 [sflag:s14], $0x100  }
0x20: {  	s13 =	smov.u32 s11;
	p0 =	por !p0, !p0;
	[sflag:s14] =	ssyncset.done @!p1 $0x0  }
0x21: {  	s12 =	smov.u32 s16;
	s11 =	smov.u32 s15;
	[sflag:s14] =	ssyncadd.s32 @!p1 $0xFFFFFF00  }
.LBB2_1:
0x22: {  	p1 =	sge.u32 s12, s8  }
0x23: {  	s14 =	sxor.u32 @!p1 $0xFFFFFFFF, s12  }
0x24: {  	s31 =	sadd.s32 $0xFFFFFFFF, s12;
	s15 =	sshrl.u32 @!p1 s11, $0x3;
	s14 =	sshll.u32 @!p1 s14, $0x8  }
0x25: {  	s16 =	sand.u32 @!p1 $0x7, s11;
	s15 =	sadd.s32 @!p1 s3, s15;
	s14 =	sand.u32 @!p1 $0x100, s14  }
0x26: {  	[tilespmem:s14], [sflag:$0x2] =	stream.linear.gather @!p1 [hbm4b:s15+s16], $0x100, $0x38;
	[tilespmem:$0x400] =	vst v63  }
0x27: {  	p1 =	sge.u32 s31, s8  }
.Ltmp2:
0x28: {  	_ = 	snop;
	(pc) =	sbr.rel @p1 .LBB2_5-.Ltmp2, $1  }
0x29: {  	_ =	sdelay $0x3  }
0x2a: {  	s14 =	simm.s32 $0x1  }
0x2b: {  	_ =	swait.ge [sflag:s7], $0x100;
	s14 =	simm.s32 @!p0 $0x0  }
0x2c: {  	[sflag:s7] =	ssyncset.done $0x0;
	s14 =	sshll.u32 s14, $0x8  }
0x2d: {  	[sflag:s7] =	ssyncadd.s32 $0xFFFFFF00;
	(ifvalue) =	ssetifvalue $0x7FFFFFFF;
	v0 =	vld.msk [tilespmem:s14+$0x0 ss:$0x1], $0xffff;
	_ =	sdelay $0x4  }
0x2e: {  	s15 =	sadd.s32 $0x10, s14;
	vm1 =	vgt.s32 v0, $0x0  }
0x2f: {  	v2 =	vld.msk [tilespmem:s15+$0x0 ss:$0x1], $0xffff;
	v1 =	vnsel vm1, $0x0, v0  }
0x30: {  	v1 =	vmin.u32 v1, $0x3FFF;
	_ =	sdelay $0x1  }
0x31: {  	s16 =	sshll.u32 s12, $0x8;
	s18 =	simm.s32 $0x20  }
0x32: {  	s16 =	sand.u32 $0x100, s16;
	s17 =	sadd.s32 $0x10, s15;
	s15 =	sor.u32 $0x200, s14  }
0x33: {  	s14 =	sor.u32 $0x200, s16;
	s16 =	sadd.s32 $0x10, s15;
	v0 =	vld.msk [tilespmem:s17+$0x0 ss:$0x1], $0xffff;
	vm1 =	vgt.s32 v2, $0x0;
	(ifvalue) =	ssetifvalue $0x7FFFFFFF  }
.LBB2_3:
0x34: {  	[tilespmem:s15], [sflag:$0x1] =	stream.indirect_vreg.gather [hbm4b:s2+s10], $0x1, v1, vm0, $0x4038;
	[tilespmem:$0x400] =	vst v63  }
0x35: {  	s18 =	sadd.s32 $0x10, s18  }
0x36: {  	v2 =	vnsel vm1, $0x0, v2;
	p1 =	slt.u32 s18, $0xF0  }
.Ltmp3:
0x37: {  	s15 =	smov.u32 s16;
	v1 =	vmin.u32 v2, $0x3FFF;
	(pc) =	sbr.rel @p1 .LBB2_3-.Ltmp3, $3  }
0x38: {  	_ =	sdelay $0x1  }
0x39: {  	s17 =	sadd.s32 $0x10, s17  }
0x3a: {  	vm1 =	vgt.s32 v0, $0x0;
	s16 =	sadd.s32 $0x10, s16;
	v2 =	vmov v0;
	(ifvalue) =	ssetifvalue $0x7FFFFFFF;
	v0 =	vld.msk [tilespmem:s17+$0x0 ss:$0x1], $0xffff  }
.Ltmp4:
0x3b: {  	_ = 	snop;
	(pc) =	sbr.rel .LBB2_4-.Ltmp4, $1  }
0x3c: {  	_ =	sdelay $0x3  }
.LBB2_6:
0x3d: {  	_ =	sfence.sel $0x180000  }
0x3e: {  	s2 =	simm.s32 $0x2;
	[bflag:$0x0] =	sbarrier.arrive $0xFFFF  }
0x3f: {  	s30 =	simm.s32 $0x3;
	[sflag:s2] =	ssyncpa.u1 $0x1  }
0x40: {  	s31 =	simm.s32 $0x1;
	[sflag:s30] =	ssyncpa.u1 $0x1  }
0x41: {  	[sflag:s31] =	ssyncpa.u1 $0x1  }
0x42: {  	p0 =	sne.s32 s0, $0x0;
	_ =	strace $0x90000047  }
0x43: {  	s0 =	sadd.s32 @!p0 $0x100000, s1;
	[bflag:$0x2] =	sbarrier.arrive $0xFFFF  }
0x44: {  	[sflag:s0] =	ssyncadd.tile.s32 @!p0 $0x1;
	_ =	shalt  }
.Lfunc_end2:
_tile_overlayer_lowered:
.L_overlay_start_2:
0x45: {  	(tag) =	ssettag $0x2  }
0x46: {  	s0 =	rddreg [dreg:$0x0];
	s2 =	stileid.u32  }
0x47: {  	s1 =	rddreg [dreg:$0x1];
	p0 =	sne.s32 s2, $0x0  }
0x48: {  	s3 =	rddreg [dreg:$0x2];
	[bflag:$0x3] =	sbarrier.arrive $0xFFFF;
	s2 =	simm.s32 @!p0 $0x1C01  }
0x49: {  	[timem:s3], [sflag:s2] =	dma.local @!p0 [hbm:s0], s1  }
0x4a: {  	s0 =	simm.s32 @!p0 $0x1  }
0x4b: {  	_ =	swait.ge @!p0 [sflag:s0], s1  }
0x4c: {  	s1 =	ssub.s32 @!p0 $0x0, s1;
	[sflag:s0] =	ssyncset.done @!p0 $0x0  }
0x4d: {  	[sflag:s0] =	ssyncadd.s32 @!p0 s1  }
0x4e: {  	[bflag:$0x3] =	sbarrier.arrive $0xFFFF  }
0x4f: {  	_ =	shalt  }

// kernel: kernel.3.cloned.1.call-start
scs
__scs_entry_jumppad:
0x0: {  	(pc) =	sbr.rel $0x88, $3  }
0x1: {  	(tag) =	ssettag $0x0;
	lr =	simm.s32 $0x1  }
0x2: {  	[smem:$0x3F9F] =	sst lr;
	_ =	strace $0xD0000000  }
0x3: {  	_ = 	snop  }
0x4: {  	_ = 	snop  }
0x5: {  	_ = 	snop  }
0x6: {  	_ = 	snop  }
0x7: {  	_ = 	snop  }
__scs_overlays_trampoline_lowered:
0x8: {  	[smem:$0x3FAE] =	sst s0  }
0x9: {  	[smem:$0x3FAF] =	sst s1  }
0xa: {  	[smem:$0x3FB0] =	sst s2  }
0xb: {  	[smem:$0x3FB1] =	sst s3  }
0xc: {  	[smem:$0x3FB2] =	sst s4  }
0xd: {  	[smem:$0x3FB3] =	sst s5  }
0xe: {  	[smem:$0x3FB4] =	sst s6  }
0xf: {  	[smem:$0x3FB5] =	sst s7  }
0x10: {  	[smem:$0x3FB6] =	sst s8  }
0x11: {  	[smem:$0x3FB7] =	sst s9;
	s0 =	simm.s32 @!p0 $0x0  }
0x12: {  	s1 =	sld [smem:$0x3F9D];
	s0 =	simm.s32 @p0 $0x1  }
0x13: {  	[smem:$0x3FB8] =	sst s0;
	s0 =	simm.s32 @!p1 $0x0  }
0x14: {  	s2 =	sld [smem:$0x3F9C];
	s0 =	simm.s32 @p1 $0x1  }
0x15: {  	[smem:$0x3FB9] =	sst s0;
	s0 =	simm.s32 @!p2 $0x0  }
0x16: {  	s3 =	sld [smem:$0x3FDB];
	s0 =	simm.s32 @p2 $0x1  }
0x17: {  	s4 =	simm.s32 $0x1BF5;
	[smem:$0x3FBB] =	sst s0  }
0x18: {  	s0 =	sld [smem:$0x3F9E];
	_ =	swait.ge [sflag:s4], $0x0  }
0x19: {  	s7 =	sld [smem:$0x3F9F]  }
0x1a: {  	s8 =	sadd.s32 $0xFFFFE003, lr  }
0x1b: {  	s9 =	sadd.s32 $0xFFFFFEF7, lr;
	s5 =	simm.s32 $0xFFFFFFFF;
	p2 =	slt.u32 s8, $0xFFFFF086  }
0x1c: {  	p1 =	slt.u32 s9, $0xF7A;
	s5 =	simm.s32 @!p2 $0x0  }
0x1d: {  	s5 =	simm.s32 @p1 $0x1;
	p0 =	seq.s32 s7, s2  }
0x1e: {  	s7 =	smul.u32 @!p0 $0xF7A, s2;
	p2 =	seq.s32 @!p0 s5, $0x0  }
0x1f: {  	s9 =	smul.u32 $0xF7A, s1;
	s8 =	simm.s32 @!p0 $0x1BF5;
	p2 =	por !p2, p0  }
0x20: {  	[sflag:s8] =	ssyncset.s32 @!p0 $0xFFFFF086;
	s6 =	sadd.s32 @!p0 s3, s7;
	s7 =	simm.s32 @!p0 $0x108  }
0x21: {  	s3 =	sadd.s32 s3, s9;
	s6 =	sadd.s32 @!p0 $0x88, s6;
	s7 =	simm.s32 @p2 $0x1082  }
0x22: {  	[simem:s7], [sflag:s8] =	dma.local @!p0 [hbm:s6], $0xF7A  }
0x23: {  	s9 =	sor.u32 $0xD0000000, s2;
	s6 =	simm.s32 $0x108;
	_ =	swait.ge @!p0 [sflag:s8], $0x0  }
0x24: {  	s3 =	sadd.s32 $0x88, s3;
	s6 =	simm.s32 @!p1 $0x1082;
	[sflag:s4] =	ssyncset.s32 $0xFFFFF086  }
0x25: {  	[simem:s6], [sflag:s4] =	dma.local [hbm:s3], $0xF7A  }
0x26: {  	[smem:$0x3F9F] =	sst s1;
	(tag) =	ssettag s2;
	_ =	strace s9  }
0x27: {  	s1 =	sld [smem:$0x3FAF]  }
0x28: {  	s2 =	sld [smem:$0x3FB0]  }
0x29: {  	s4 =	sld [smem:$0x3FB2]  }
0x2a: {  	p0 =	seq.s32 s5, $0x0;
	s5 =	sld [smem:$0x3FB3]  }
0x2b: {  	s6 =	sld [smem:$0x3FB4]  }
0x2c: {  	s7 =	sld [smem:$0x3FB5]  }
0x2d: {  	s3 =	simm.s32 $0x108;
	s8 =	sld [smem:$0x3FB6]  }
0x2e: {  	s3 =	simm.s32 @!p0 $0x1082;
	s9 =	sld [smem:$0x3FB7]  }
0x2f: {  	lr =	sadd.s32 s0, s3;
	s0 =	sld [smem:$0x3FAE]  }
0x30: {  	s3 =	sld [smem:$0x3FB1]  }
0x31: {  	[smem:$0x3FBA] =	sst s10  }
0x32: {  	s10 =	sld [smem:$0x3FB8];
	_ =	sdelay $0x3  }
0x33: {  	p0 =	seq.s32 s10, $0x1;
	s10 =	sld [smem:$0x3FBA];
	_ =	sdelay $0x3  }
0x34: {  	[smem:$0x3FBA] =	sst s10  }
0x35: {  	s10 =	sld [smem:$0x3FB9];
	_ =	sdelay $0x3  }
0x36: {  	p1 =	seq.s32 s10, $0x1;
	s10 =	sld [smem:$0x3FBA];
	_ =	sdelay $0x3  }
0x37: {  	[smem:$0x3FBA] =	sst s10  }
0x38: {  	s10 =	sld [smem:$0x3FBB]  }
0x39: {  	_ = 	snop;
	(pc) =	sbr.ind lr, $3  }
0x3a: {  	_ = 	snop  }
0x3b: {  	_ = 	snop  }
0x3c: {  	p2 =	seq.s32 s10, $0x1;
	s10 =	sld [smem:$0x3FBA]  }
0x3d: {  	_ =	shalt  }
0x3e: {  	_ =	shalt  }
0x3f: {  	_ =	shalt  }
0x40: {  	_ =	shalt  }
0x41: {  	_ =	shalt  }
0x42: {  	_ =	shalt  }
0x43: {  	_ =	shalt  }
0x44: {  	_ =	shalt  }
0x45: {  	_ =	shalt  }
0x46: {  	_ =	shalt  }
0x47: {  	_ =	shalt  }
0x48: {  	_ =	shalt  }
0x49: {  	_ =	shalt  }
0x4a: {  	_ =	shalt  }
0x4b: {  	_ =	shalt  }
0x4c: {  	_ =	shalt  }
0x4d: {  	_ =	shalt  }
0x4e: {  	_ =	shalt  }
0x4f: {  	_ =	shalt  }
0x50: {  	_ =	shalt  }
0x51: {  	_ =	shalt  }
0x52: {  	_ =	shalt  }
0x53: {  	_ =	shalt  }
0x54: {  	_ =	shalt  }
0x55: {  	_ =	shalt  }
0x56: {  	_ =	shalt  }
0x57: {  	_ =	shalt  }
0x58: {  	_ =	shalt  }
0x59: {  	_ =	shalt  }
0x5a: {  	_ =	shalt  }
0x5b: {  	_ =	shalt  }
0x5c: {  	_ =	shalt  }
0x5d: {  	_ =	shalt  }
0x5e: {  	_ =	shalt  }
0x5f: {  	_ =	shalt  }
0x60: {  	_ =	shalt  }
0x61: {  	_ =	shalt  }
0x62: {  	_ =	shalt  }
0x63: {  	_ =	shalt  }
0x64: {  	_ =	shalt  }
0x65: {  	_ =	shalt  }
0x66: {  	_ =	shalt  }
0x67: {  	_ =	shalt  }
0x68: {  	_ =	shalt  }
0x69: {  	_ =	shalt  }
0x6a: {  	_ =	shalt  }
0x6b: {  	_ =	shalt  }
0x6c: {  	_ =	shalt  }
0x6d: {  	_ =	shalt  }
0x6e: {  	_ =	shalt  }
0x6f: {  	_ =	shalt  }
0x70: {  	_ =	shalt  }
0x71: {  	_ =	shalt  }
0x72: {  	_ =	shalt  }
0x73: {  	_ =	shalt  }
0x74: {  	_ =	shalt  }
0x75: {  	_ =	shalt  }
0x76: {  	_ =	shalt  }
0x77: {  	_ =	shalt  }
0x78: {  	_ =	shalt  }
0x79: {  	_ =	shalt  }
0x7a: {  	_ =	shalt  }
0x7b: {  	_ =	shalt  }
0x7c: {  	_ =	shalt  }
0x7d: {  	_ =	shalt  }
0x7e: {  	_ =	shalt  }
0x7f: {  	_ =	shalt  }
0x80: {  	_ =	shalt  }
0x81: {  	_ =	shalt  }
0x82: {  	_ =	shalt  }
0x83: {  	_ =	shalt  }
0x84: {  	_ =	shalt  }
0x85: {  	_ =	shalt  }
0x86: {  	_ =	shalt  }
0x87: {  	_ =	shalt  }
.Lfunc_end0:
.L_simem_size_0:
called_computation.1_lowered:
.L_overlay_start_0:
0x88: {  	s2 =	sld [smem:$0x3FD9]  }
0x89: {  	s3 =	sld [smem:$0x3FFE];
	_ =	sdelay $0x1  }
0x8a: {  	s1 =	srdreg.scid  }
0x8b: {  	s0 =	sand.u32 $0x1, s1  }
0x8c: {  	s17 =	sshll.u32 s0, $0xA;
	s2 =	sadd.s32 s3, s2  }
0x8d: {  	s2 =	sadd.s32 s2, s17  }
0x8e: {  	[smem:$0x3FC6] =	sst s2  }
0x8f: {  	_ = 	snop  }
0x90: {  	s2 =	sld [smem:$0x3FC8]  }
0x91: {  	s18 =	sld [smem:$0x3FD0];
	(tm) =	ssettm $0x1  }
0x92: {  	s4 =	sld [smem:$0x3FFB];
	_ =	sdelay $0x3  }
0x93: {  	_ =	strace s4  }
0x94: {  	s4 =	sld [smem:$0x3FFC];
	_ =	sdelay $0x3  }
0x95: {  	_ =	strace s4  }
0x96: {  	s4 =	sld [smem:$0x3FFD];
	_ =	sdelay $0x3  }
0x97: {  	_ =	strace s4  }
0x98: {  	_ =	strace $0x8FFFFFFF  }
0x99: {  	s19 =	sld [smem:$0x3FDB];
	_ =	sdelay $0x1  }
0x9a: {  	s5 =	simm.s32 $_scs_section_size  }
0x9b: {  	s6 =	simm.s32 $_size__tile_overlayer_lowered;
	s7 =	simm.s32 $_tile_overlayer_lowered  }
0x9c: {  	s22 =	simm.s32 $0x1BFF;
	s21 =	sshll.u32 s7, $0x1;
	s4 =	sadd.s32 s5, s19  }
0x9d: {  	s8 =	simm.s32 $0x0;
	s20 =	sshll.u32 s6, $0x1;
	s6 =	sadd.s32 s21, s4  }
0x9e: {  	[timem:s8], [sflag:s22] =	dma.local [hbm:s6], s20  }
0x9f: {  	_ =	swait.ge [sflag:s22], s20  }
0xa0: {  	s5 =	ssub.s32 $0x0, s20;
	[sflag:s22] =	ssyncset.done $0x0  }
0xa1: {  	[sflag:s22] =	ssyncadd.s32 s5;
	_ =	sdelay $0x1  }
0xa2: {  	s23 =	simm.s32 $0x1B8B  }
0xa3: {  	_ =	swait.ge [sflag:s23], $0x1  }
0xa4: {  	[sflag:s23] =	ssyncset.done $0x0  }
0xa5: {  	s25 =	simm.s32 $0x1B8E;
	s24 =	sld [smem:$0x3FFE];
	[sflag:s23] =	ssyncadd.s32 $0xFFFFFFFF  }
0xa6: {  	s26 =	simm.s32 $execute0_lowered;
	[smem:$0x3FD2] =	sst s25  }
0xa7: {  	s6 =	sshll.u32 s26, $0x1;
	_ =	strace $0x80000049;
	[dreg:$0x1] =	wrdreg $0xFFFFFFFF  }
0xa8: {  	s28 =	simm.s32 $_size_execute0_lowered;
	s4 =	sadd.s32 s4, s6;
	[dreg:$0x0] =	wrdreg $0x0  }
0xa9: {  	s6 =	sshll.u32 s28, $0x1;
	[dreg:$0x2] =	wrdreg s4  }
0xaa: {  	[dreg:$0x3] =	wrdreg s6  }
0xab: {  	[dreg:$0x4] =	wrdreg $0xC0  }
0xac: {  	_ =	task [dreg:s8], $0x5FFFF  }
0xad: {  	[dreg:$0x1] =	wrdreg $0xFFFFFFFF  }
0xae: {  	[dreg:$0x0] =	wrdreg $0x60  }
0xaf: {  	[dreg:$0x2] =	wrdreg s18  }
0xb0: {  	[dreg:$0x3] =	wrdreg s24  }
0xb1: {  	[dreg:$0x4] =	wrdreg s2  }
0xb2: {  	[dreg:$0x5] =	wrdreg $0x9  }
0xb3: {  	_ =	task.clear_ibuf [dreg:s8], $0x6FFFF;
	_ =	strace $0x90000049  }
0xb4: {  	s29 =	simm.s32 $0x9;
	_ =	strace $0x8000004B  }
0xb5: {  	_ =	swait.ge [sflag:s29], $0x1  }
0xb6: {  	[sflag:s29] =	ssyncadd.s32 $0xFFFFFFFF  }
0xb7: {  	_ =	strace $0x9000004B  }
0xb8: {  	_ =	sfence  }
0xb9: {  	s30 =	sld [smem:$0x0];
	_ =	sdelay $0x2  }
0xba: {  	s31 =	sshll.u32 s1, $0xD;
	s1 =	sshrl.u32 s1, $0x2  }
0xbb: {  	s3 =	sand.u32 $0x4000, s31;
	s1 =	sadd.s32 s1, s30  }
0xbc: {  	s0 =	sor.u32 s3, s0;
	s1 =	sshll.u32 s1, $0x11  }
0xbd: {  	s0 =	sor.u32 s1, s0  }
0xbe: {  	s0 =	sadd.s32 $0x8F2B, s0  }
0xbf: {  	[sflag:s0] =	ssyncadd.remote.s32 $0x1  }
0xc0: {  	_ =	sfence.sel $0xFFFF  }
0xc1: {  	[dreg:$0x0] =	wrdreg $0xFFFFFFFF;
	(pc) =	sbr.abs _section_cstart, $3  }
0xc2: {  	[dreg:$0x1] =	wrdreg $0xFFFFFFFF  }
0xc3: {  	_ =	task.clear_ibuf [dreg:s8], $0x2FFFF;
	_ =	strace $0x9FFFFFFF  }
0xc4: {  	(tm) =	ssettm $0x7FFFFFFF  }
0xc5: {  	_ =	shalt  }
tec
execute0_lowered:
.L_overlay_start_1:
0x0: {  	(tag) =	ssettag $0x1  }
0x1: {  	s6 =	rddreg [dreg:$0x0]  }
0x2: {  	s5 =	rddreg [dreg:$0x1]  }
0x3: {  	s1 =	rddreg [dreg:$0x2];
	s3 =	simm.s32 $0x0;
	s4 =	srdreg.scid  }
0x4: {  	s0 =	stileid.u32;
	s10 =	simm.s32 $0x288;
	s11 =	simm.s32 $0xA00  }
0x5: {  	s12 =	simm.s32 $0xB00;
	s13 =	simm.s32 $0x780;
	s14 =	simm.s32 $0x400  }
0x6: {  	s15 =	simm.s32 $0x7A1400;
	s16 =	simm.s32 $0x100;
	s17 =	simm.s32 $0xCC00  }
0x7: {  	s18 =	simm.s32 $0x2;
	s19 =	simm.s32 $0x1;
	s20 =	simm.s32 $0x0  }
0x8: {  	[smem:$0x7FF] =	sst s3;
	s4 =	sand.u32 $0x1, s4;
	s8 =	sshll.u32 s0, $0x7  }
0x9: {  	v0 =	vlaneseq.u32;
	s7 =	ssub.s32 $0x2, s4;
	s4 =	sshll.u32 s4, $0x6;
	_ =	strace $0x8000004A  }
0xa: {  	v0 =	vmul.u32 $0x80, v0;
	s9 =	sshrl.u32 s7, $0x1;
	s8 =	sor.u32 s4, s8;
	s4 =	sadd.s32 $0x800, s5  }
0xb: {  	vm0 =	vmmov $0x1;
	v1 =	vimm.s32 $0x0;
	s9 =	ssub.s32 s7, s9;
	s5 =	sadd.s32 s5, s8;
	s6 =	sadd.s32 s6, s8  }
0xc: {  	v2 =	vor.u32 $0x800, v0;
	v3 =	vor.u32 $0x1000, v0;
	v4 =	vor.u32 $0x1800, v0;
	s7 =	sadd.s32 $0x20, s5;
	s8 =	smax.u32 s9, $0x1;
	s9 =	simm.s32 $0x3  }
.LBB2_1:
0xd: {  	[tilespmem:s3], [sflag:$0x3] =	stream.linear.gather [hbm4b:s6+s3], $0x200, $0x38;
	[tilespmem:$0x14C00] =	vst v63  }
0xe: {  	_ =	swait.ge [sflag:s9], $0x200  }
0xf: {  	[sflag:s9] =	ssyncset.done $0x0  }
0x10: {  	[sflag:s9] =	ssyncadd.s32 $0xFFFFFE00  }
0x11: {  	[tilespmem:s10], [sflag:$0x3] =	stream.linear.gather [hbm4b:s6+s3], $0x200, $0x38;
	[tilespmem:$0x14C00] =	vst v63  }
0x12: {  	_ =	swait.ge [sflag:s9], $0x200  }
0x13: {  	[sflag:s9] =	ssyncset.done $0x0  }
0x14: {  	[sflag:s9] =	ssyncadd.s32 $0xFFFFFE00  }
0x15: {  	[tilespmem:s11], [sflag:$0x3] =	stream.linear.gather [hbm4b:s5+s3], $0x100, $0x38;
	[tilespmem:$0x14C00] =	vst v63  }
0x16: {  	_ =	swait.ge [sflag:s9], $0x100  }
0x17: {  	[sflag:s9] =	ssyncset.done $0x0  }
0x18: {  	[sflag:s9] =	ssyncadd.s32 $0xFFFFFF00  }
0x19: {  	[tilespmem:s12], [sflag:$0x3] =	stream.linear.gather [hbm4b:s7+s3], $0x100, $0x38;
	[tilespmem:$0x14C00] =	vst v63  }
0x1a: {  	_ =	swait.ge [sflag:s9], $0x100  }
0x1b: {  	[sflag:s9] =	ssyncset.done $0x0  }
0x1c: {  	[sflag:s9] =	ssyncadd.s32 $0xFFFFFF00  }
0x1d: {  	v5 =	vld [tilespmem:$0x0]  }
0x1e: {  	v6 =	vld [tilespmem:$0x287];
	_ =	sdelay $0x4  }
0x1f: {  	v6 =	vxor.u32 v5, v6  }
0x20: {  	vm1 =	vgt.u32 v6, $0x7F  }
0x21: {  	vm1 =	vmor vm1, vm0  }
0x22: {  	v6 =	vsel vm1, $0x1, v1  }
0x23: {  	(xrf0) =	vadd.scan.msk.s32 $0xffff, v6;
	_ =	sdelay $0x5  }
0x24: {  	v6, _, _ =	vpop (xrf0)  }
0x25: {  	v7 =	vmpcnt.ones.xlane vm1;
	v6 =	vadd.s32 $0xFFFFFFFF, v6  }
0x26: {  	v5 =	vand.u32 $0xFFFFFF80, v5;
	[tilespmem:$0x500] =	vst v6  }
0x27: {  	s22 =	simm.s32 $0x0;
	(v2sf) =	vpush v7, $0x0;
	[tilespmem:s13+$0x0] =	vst.msk vm1, v5  }
0x28: {  	v5 =	vld [tilespmem:s22+$0x10]  }
0x29: {  	v6 =	vld [tilespmem:s22+$0x297];
	_ =	sdelay $0x4  }
0x2a: {  	v6 =	vxor.u32 v5, v6  }
0x2b: {  	vm1 =	vgt.u32 v6, $0x7F  }
0x2c: {  	v6 =	vsel vm1, $0x1, v1  }
0x2d: {  	(xrf0) =	vadd.scan.msk.s32 $0xffff, v6;
	_ =	sdelay $0x4  }
0x2e: {  	s21 =	spop (v2sf)  }
0x2f: {  	s23 =	sadd.s32 $0xFFFFFFFF, s21;
	v6, _, _ =	vpop (xrf0)  }
0x30: {  	v6 =	vadd.s32 s23, v6  }
0x31: {  	[tilespmem:s22+$0x510] =	vst v6;
	v6 =	vmpcnt.ones.xlane vm1;
	_ =	sdelay $0x1  }
0x32: {  	(v2sf) =	vpush v6, $0x0;
	_ =	sdelay $0x6  }
0x33: {  	v5 =	vand.u32 $0xFFFFFF80, v5  }
0x34: {  	s22 =	simm.s32 $0x10;
	[tilespmem:s21+$0x780] =	vst.msk vm1, v5  }
0x35: {  	v5 =	vld [tilespmem:s22+$0x10]  }
0x36: {  	s23 =	simm.s32 $0x80;
	v6 =	vld [tilespmem:s22+$0x297]  }
.LBB2_2:
0x37: {  	_ =	sdelay $0x2  }
0x38: {  	p0 =	sne.s32 s23, $0x780  }
0x39: {  	s25 =	smov.u32 s23;
	s23 =	sadd.s32 $0x40, s23;
	v6 =	vxor.u32 v5, v6;
	s24 =	spop (v2sf)  }
0x3a: {  	vm1 =	vgt.u32 v6, $0x7F;
	s21 =	sadd.s32 s21, s24  }
0x3b: {  	v6 =	vsel vm1, $0x1, v1;
	v7 =	vmpcnt.ones.xlane vm1  }
0x3c: {  	(xrf0) =	vadd.scan.msk.s32 $0xffff, v6  }
0x3d: {  	(v2sf) =	vpush v7, $0x0;
	_ =	sdelay $0x4  }
0x3e: {  	s24 =	sadd.s32 $0xFFFFFFFF, s21;
	v6, _, _ =	vpop (xrf0)  }
.Ltmp0:
0x3f: {  	v6 =	vadd.s32 s24, v6;
	(pc) =	sbr.rel @p0 .LBB2_2-.Ltmp0, $4  }
0x40: {  	v5 =	vand.u32 $0xFFFFFF80, v5;
	[tilespmem:s22+$0x510] =	vst v6  }
0x41: {  	s22 =	sshra.s32 s25, $0x2;
	[tilespmem:s21+$0x780] =	vst.msk vm1, v5  }
0x42: {  	v5 =	vld [tilespmem:s22+$0x10]  }
0x43: {  	v6 =	vld [tilespmem:s22+$0x297]  }
0x44: {  	_ =	sdelay $0x3  }
0x45: {  	v6 =	vxor.u32 v5, v6  }
0x46: {  	vm1 =	vgt.u32 v6, $0x7F  }
0x47: {  	v6 =	vmpcnt.ones.xlane vm1;
	_ =	sdelay $0x1  }
0x48: {  	(v2sf) =	vpush v6, $0x0;
	_ =	sdelay $0x8  }
0x49: {  	v6 =	vsel vm1, $0x1, v1  }
0x4a: {  	(xrf0) =	vadd.scan.msk.s32 $0xffff, v6;
	_ =	sdelay $0x3  }
0x4b: {  	s23 =	spop (v2sf)  }
0x4c: {  	s23 =	sadd.s32 s21, s23;
	s31 =	spop (v2sf)  }
0x4d: {  	s24 =	sadd.s32 $0xFFFFFFFF, s23;
	v6, _, _ =	vpop (xrf0);
	s21 =	sadd.s32 s23, s31  }
0x4e: {  	v6 =	vadd.s32 s24, v6;
	s21 =	sadd.s32 $0xFFFFFFFF, s21  }
0x4f: {  	v5 =	vand.u32 $0xFFFFFF80, v5;
	[tilespmem:s22+$0x510] =	vst v6;
	s0 =	sshra.s32 s21, $0x1F  }
0x50: {  	[tilespmem:s23+$0x780] =	vst.msk vm1, v5;
	s22 =	sand.u32 s0, s21  }
0x51: {  	v5 =	vld [tilespmem:s22+$0x780];
	_ =	sdelay $0x4  }
0x52: {  	(v2sf) =	vpush v5, $0x0;
	_ =	sdelay $0x6  }
0x53: {  	s22 =	ssub.s32 $0x0, s22  }
0x54: {  	s2 =	smulhi.u32 $0xAAAAAAAB, s22;
	_ =	sdelay $0x1  }
0x55: {  	s23 =	sshrl.u32 s2, $0x2  }
0x56: {  	s23 =	smul.u32 $0x6, s23;
	_ =	sdelay $0x1  }
0x57: {  	s22 =	ssub.s32 s22, s23  }
0x58: {  	s22 =	sshll.u32 s22, $0xF  }
0x59: {  	s22 =	ssub.s32 $0x0, s22;
	s24 =	spop (v2sf)  }
0x5a: {  	s22 =	sshra.s32 s22, $0x2;
	s23 =	sand.u32 $0xFFFFF80, s24  }
0x5b: {  	s22 =	sor.u32 $0xC00, s22;
	s23 =	sadd.s32 s1, s23  }
0x5c: {  	[tilespmem:s22], [sflag:$0x1] =	stream.strided.gather [hbm4b:s23+s14], $0x2000, s15, s14, $0x38;
	[tilespmem:$0x14C00] =	vst v63  }
0x5d: {  	p0 =	slt.s32 s21, $0x1;
	s22 =	smov.u32 s21  }
0x5e: {  	s22 =	simm.s32 @!p0 $0x1  }
0x5f: {  	v5 =	vld [tilespmem:s22+$0x780];
	_ =	sdelay $0x4  }
0x60: {  	(v2sf) =	vpush v5, $0x0;
	_ =	sdelay $0x5  }
0x61: {  	s25 =	smulhi.u32 $0x2AAAAAAB, s22;
	s26 =	sshra.s32 s22, $0x1F  }
0x62: {  	s24 =	smul.u32 $0x2AAAAAAB, s26;
	_ =	sdelay $0x1  }
0x63: {  	s23 =	sadd.s32 s24, s25  }
0x64: {  	s24 =	sshrl.u32 s23, $0x1F  }
0x65: {  	s23 =	sadd.s32 s24, s23  }
0x66: {  	s23 =	smul.u32 $0x6, s23;
	_ =	sdelay $0x1  }
0x67: {  	s22 =	ssub.s32 s22, s23  }
0x68: {  	s22 =	sshll.u32 s22, $0xF;
	s28 =	spop (v2sf)  }
0x69: {  	s22 =	sshra.s32 s22, $0x2;
	s23 =	sand.u32 $0xFFFFF80, s28  }
0x6a: {  	s22 =	sor.u32 $0xC00, s22;
	s23 =	sadd.s32 s1, s23  }
0x6b: {  	[tilespmem:s22], [sflag:$0x1] =	stream.strided.gather [hbm4b:s23+s14], $0x2000, s15, s14, $0x38;
	[tilespmem:$0x14C00] =	vst v63  }
0x6c: {  	p0 =	slt.s32 s21, $0x2;
	s22 =	smov.u32 s21  }
0x6d: {  	s22 =	simm.s32 @!p0 $0x2  }
0x6e: {  	v5 =	vld [tilespmem:s22+$0x780];
	_ =	sdelay $0x4  }
0x6f: {  	(v2sf) =	vpush v5, $0x0;
	_ =	sdelay $0x5  }
0x70: {  	s29 =	smulhi.u32 $0x2AAAAAAB, s22;
	s30 =	sshra.s32 s22, $0x1F  }
0x71: {  	s24 =	smul.u32 $0x2AAAAAAB, s30;
	_ =	sdelay $0x1  }
0x72: {  	s23 =	sadd.s32 s24, s29  }
0x73: {  	s24 =	sshrl.u32 s23, $0x1F  }
0x74: {  	s23 =	sadd.s32 s24, s23  }
0x75: {  	s23 =	smul.u32 $0x6, s23;
	_ =	sdelay $0x1  }
0x76: {  	s22 =	ssub.s32 s22, s23  }
0x77: {  	s22 =	sshll.u32 s22, $0xF;
	s31 =	spop (v2sf)  }
0x78: {  	s22 =	sshra.s32 s22, $0x2;
	s23 =	sand.u32 $0xFFFFF80, s31  }
0x79: {  	s22 =	sor.u32 $0xC00, s22;
	s23 =	sadd.s32 s1, s23  }
0x7a: {  	[tilespmem:s22], [sflag:$0x1] =	stream.strided.gather [hbm4b:s23+s14], $0x2000, s15, s14, $0x38;
	[tilespmem:$0x14C00] =	vst v63  }
0x7b: {  	p0 =	slt.s32 s21, $0x3;
	s22 =	smov.u32 s21  }
0x7c: {  	s22 =	simm.s32 @!p0 $0x3  }
0x7d: {  	v5 =	vld [tilespmem:s22+$0x780];
	_ =	sdelay $0x4  }
0x7e: {  	(v2sf) =	vpush v5, $0x0;
	_ =	sdelay $0x5  }
0x7f: {  	s0 =	smulhi.u32 $0x2AAAAAAB, s22;
	s2 =	sshra.s32 s22, $0x1F  }
0x80: {  	s24 =	smul.u32 $0x2AAAAAAB, s2;
	_ =	sdelay $0x1  }
0x81: {  	s23 =	sadd.s32 s24, s0  }
0x82: {  	s24 =	sshrl.u32 s23, $0x1F  }
0x83: {  	s23 =	sadd.s32 s24, s23  }
0x84: {  	s23 =	smul.u32 $0x6, s23;
	_ =	sdelay $0x1  }
0x85: {  	s22 =	ssub.s32 s22, s23  }
0x86: {  	s22 =	sshll.u32 s22, $0xF;
	s25 =	spop (v2sf)  }
0x87: {  	s22 =	sshra.s32 s22, $0x2;
	s23 =	sand.u32 $0xFFFFF80, s25  }
0x88: {  	s22 =	sor.u32 $0xC00, s22;
	s23 =	sadd.s32 s1, s23  }
0x89: {  	[tilespmem:s22], [sflag:$0x1] =	stream.strided.gather [hbm4b:s23+s14], $0x2000, s15, s14, $0x38;
	[tilespmem:$0x14C00] =	vst v63  }
0x8a: {  	p0 =	slt.s32 s21, $0x4;
	s22 =	smov.u32 s21  }
0x8b: {  	s22 =	simm.s32 @!p0 $0x4  }
0x8c: {  	v5 =	vld [tilespmem:s22+$0x780];
	_ =	sdelay $0x4  }
0x8d: {  	(v2sf) =	vpush v5, $0x0;
	_ =	sdelay $0x5  }
0x8e: {  	s26 =	smulhi.u32 $0x2AAAAAAB, s22;
	s28 =	sshra.s32 s22, $0x1F  }
0x8f: {  	s24 =	smul.u32 $0x2AAAAAAB, s28;
	_ =	sdelay $0x1  }
0x90: {  	s23 =	sadd.s32 s24, s26  }
0x91: {  	s24 =	sshrl.u32 s23, $0x1F  }
0x92: {  	s23 =	sadd.s32 s24, s23  }
0x93: {  	s23 =	smul.u32 $0x6, s23;
	_ =	sdelay $0x1  }
0x94: {  	s22 =	ssub.s32 s22, s23  }
0x95: {  	s22 =	sshll.u32 s22, $0xF;
	s29 =	spop (v2sf)  }
0x96: {  	s22 =	sshra.s32 s22, $0x2;
	s23 =	sand.u32 $0xFFFFF80, s29  }
0x97: {  	s30 =	simm.s32 $0x0;
	s22 =	sor.u32 $0xC00, s22;
	s23 =	sadd.s32 s1, s23  }
0x98: {  	[tilespmem:s22], [sflag:$0x1] =	stream.strided.gather [hbm4b:s23+s14], $0x2000, s15, s14, $0x38;
	[tilespmem:$0x14C00] =	vst v63  }
0x99: {  	v5 =	vld [tilespmem:s30+$0x500];
	_ =	sdelay $0x4  }
0x9a: {  	(v2sf) =	vpush v5, $0x0;
	_ =	sdelay $0xe  }
0x9b: {  	s23 =	spop (v2sf)  }
0x9c: {  	p0 =	seq.s32 s23, $0xFFFFFFFF  }
0x9d: {  	s24 =	simm.s32 @!p0 $0x1;
	s25 =	sadd.s32 @!p0 $0x5, s23  }
0x9e: {  	_ =	swait.ge @!p0 [sflag:s24], $0x2000;
	p1 =	slt.s32 @!p0 s25, s21  }
0x9f: {  	[sflag:s24] =	ssyncset.done @!p0 $0x0;
	p1 =	por !p1, p0  }
0xa0: {  	[sflag:s24] =	ssyncadd.s32 @!p0 $0xFFFFE000;
	s25 =	smov.u32 @p1 s21  }
0xa1: {  	v5 =	vld @!p0 [tilespmem:s25+$0x780];
	_ =	sdelay $0x4  }
0xa2: {  	(v2sf) =	vpush @!p0 v5, $0x0;
	_ =	sdelay $0x5  }
0xa3: {  	s24 =	smulhi.u32 @!p0 $0x2AAAAAAB, s25;
	s26 =	sshra.s32 @!p0 s25, $0x1F  }
0xa4: {  	s26 =	smul.u32 @!p0 $0x2AAAAAAB, s26;
	_ =	sdelay $0x1  }
0xa5: {  	s24 =	sadd.s32 @!p0 s26, s24  }
0xa6: {  	s26 =	sshrl.u32 @!p0 s24, $0x1F  }
0xa7: {  	s24 =	sadd.s32 @!p0 s26, s24  }
0xa8: {  	s24 =	smul.u32 @!p0 $0x6, s24;
	_ =	sdelay $0x1  }
0xa9: {  	s24 =	ssub.s32 @!p0 s25, s24  }
0xaa: {  	s24 =	sshll.u32 @!p0 s24, $0xF;
	s25 =	spop @!p0 (v2sf)  }
0xab: {  	s28 =	simm.s32 @!p0 $0x7A1400;
	s24 =	sshra.s32 @!p0 s24, $0x2;
	s25 =	sand.u32 @!p0 $0xFFFFF80, s25  }
0xac: {  	s26 =	simm.s32 @!p0 $0x400;
	s24 =	sor.u32 @!p0 $0xC00, s24;
	s25 =	sadd.s32 @!p0 s1, s25  }
0xad: {  	[tilespmem:s24], [sflag:$0x1] =	stream.strided.gather @!p0 [hbm4b:s25+s26], $0x2000, s28, s26, $0x38;
	[tilespmem:$0x14C00] =	vst v63  }
0xae: {  	v5 =	vld [tilespmem:s30+$0x0];
	_ =	sdelay $0x4  }
0xaf: {  	(v2sf) =	vpush v5, $0x0;
	_ =	sdelay $0xd  }
0xb0: {  	s31 =	smulhi.u32 $0x2AAAAAAB, s23;
	s0 =	sshra.s32 s23, $0x1F  }
0xb1: {  	s24 =	smul.u32 $0x2AAAAAAB, s0;
	s2 =	spop (v2sf)  }
0xb2: {  	s28 =	sshra.s32 s2, $0x1F  }
0xb3: {  	s22 =	sadd.s32 s24, s31;
	s29 =	sshrl.u32 s28, $0x19  }
0xb4: {  	s30 =	sshrl.u32 s22, $0x1F;
	s24 =	sadd.s32 s29, s2  }
0xb5: {  	s22 =	sadd.s32 s30, s22;
	s24 =	sand.u32 $0xFFFFFF80, s24  }
0xb6: {  	s22 =	smul.u32 $0x6, s22;
	s24 =	ssub.s32 s2, s24  }
0xb7: {  	v5 =	vadd.s32 s24, v0  }
0xb8: {  	s22 =	ssub.s32 s23, s22  }
0xb9: {  	s22 =	sshll.u32 s22, $0xF  }
0xba: {  	s22 =	sshra.s32 s22, $0x2  }
0xbb: {  	s31 =	sor.u32 $0xC00, s22  }
0xbc: {  	v5 =	vld.idx.msk [tilespmem:v5+s31+$0x0], $0xffff  }
0xbd: {  	v6 =	vadd.s32 s24, v2;
	_ =	sdelay $0x2  }
0xbe: {  	s22 =	simm.s32 $0xCC20  }
0xbf: {  	[tilespmem:s22+$0xFFFFFFE0] =	vst v5  }
0xc0: {  	v5 =	vld.idx.msk [tilespmem:v6+s31+$0x0], $0xffff  }
0xc1: {  	v6 =	vadd.s32 s24, v3;
	_ =	sdelay $0x3  }
0xc2: {  	[tilespmem:s22+$0xFFFFFFF0] =	vst v5  }
0xc3: {  	v5 =	vld.idx.msk [tilespmem:v6+s31+$0x0], $0xffff  }
0xc4: {  	v6 =	vadd.s32 s24, v4;
	_ =	sdelay $0x3  }
0xc5: {  	[tilespmem:s22+$0x0] =	vst v5  }
0xc6: {  	s25 =	simm.s32 $0x4;
	s24 =	simm.s32 $0x8;
	v5 =	vld.idx.msk [tilespmem:v6+s31+$0x0], $0xffff  }
.LBB2_4:
0xc7: {  	_ =	sdelay $0x2  }
0xc8: {  	s26 =	sshra.s32 s25, $0x2  }
0xc9: {  	s25 =	smov.u32 s24;
	s24 =	sadd.s32 $0x4, s24;
	[tilespmem:s22+$0x10] =	vst v5;
	s22 =	sadd.s32 $0x80, s22  }
0xca: {  	p0 =	sne.s32 s24, $0x400;
	v5 =	vld [tilespmem:s26+$0x500];
	_ =	sdelay $0x4  }
0xcb: {  	(v2sf) =	vpush v5, $0x0;
	_ =	sdelay $0xe  }
0xcc: {  	s28 =	spop (v2sf)  }
0xcd: {  	p1 =	seq.s32 s28, s23;
	s29 =	smulhi.u32 $0x2AAAAAAB, s28;
	s23 =	sshra.s32 s28, $0x1F  }
0xce: {  	s30 =	simm.s32 @!p1 $0x1;
	s31 =	sadd.s32 @!p1 $0x5, s28;
	s0 =	smul.u32 $0x2AAAAAAB, s23  }
0xcf: {  	s23 =	smov.u32 s28;
	_ =	swait.ge @!p1 [sflag:s30], $0x2000;
	p2 =	slt.s32 @!p1 s31, s21  }
0xd0: {  	[sflag:s30] =	ssyncset.done @!p1 $0x0;
	p2 =	por !p2, p1;
	s0 =	sadd.s32 s0, s29  }
0xd1: {  	[sflag:s30] =	ssyncadd.s32 @!p1 $0xFFFFE000;
	s31 =	smov.u32 @p2 s21;
	s29 =	sshrl.u32 s0, $0x1F  }
0xd2: {  	v5 =	vld @!p1 [tilespmem:s31+$0x780];
	s30 =	smulhi.u32 @!p1 $0x2AAAAAAB, s31;
	s2 =	sshra.s32 @!p1 s31, $0x1F;
	s0 =	sadd.s32 s29, s0  }
0xd3: {  	s2 =	smul.u32 @!p1 $0x2AAAAAAB, s2  }
0xd4: {  	s0 =	smul.u32 $0x6, s0  }
0xd5: {  	s2 =	sadd.s32 @!p1 s2, s30  }
0xd6: {  	s0 =	ssub.s32 s28, s0;
	s29 =	sshrl.u32 @!p1 s2, $0x1F  }
0xd7: {  	s0 =	sshll.u32 s0, $0xF;
	s2 =	sadd.s32 @!p1 s29, s2;
	(v2sf) =	vpush @!p1 v5, $0x0  }
0xd8: {  	s28 =	sshra.s32 s0, $0x2;
	s2 =	smul.u32 @!p1 $0x6, s2;
	_ =	sdelay $0x1  }
0xd9: {  	s0 =	ssub.s32 @!p1 s31, s2  }
0xda: {  	s0 =	sshll.u32 @!p1 s0, $0xF  }
0xdb: {  	s0 =	sshra.s32 @!p1 s0, $0x2  }
0xdc: {  	s0 =	sor.u32 @!p1 $0xC00, s0;
	_ =	sdelay $0x8  }
0xdd: {  	s2 =	spop @!p1 (v2sf)  }
0xde: {  	s2 =	sand.u32 @!p1 $0xFFFFF80, s2  }
0xdf: {  	s30 =	simm.s32 @!p1 $0x7A1400;
	s29 =	simm.s32 @!p1 $0x400;
	s2 =	sadd.s32 @!p1 s1, s2  }
0xe0: {  	[tilespmem:s0], [sflag:$0x1] =	stream.strided.gather @!p1 [hbm4b:s2+s29], $0x2000, s30, s29, $0x38;
	[tilespmem:$0x14C00] =	vst v63  }
0xe1: {  	v5 =	vld [tilespmem:s26+$0x0];
	_ =	sdelay $0x4  }
0xe2: {  	(v2sf) =	vpush v5, $0x0;
	_ =	sdelay $0xe  }
0xe3: {  	s0 =	spop (v2sf)  }
0xe4: {  	s2 =	sshra.s32 s0, $0x1F  }
0xe5: {  	s2 =	sshrl.u32 s2, $0x19  }
0xe6: {  	s2 =	sadd.s32 s2, s0  }
0xe7: {  	s2 =	sand.u32 $0xFFFFFF80, s2  }
0xe8: {  	s0 =	ssub.s32 s0, s2  }
0xe9: {  	v5 =	vadd.s32 s0, v0;
	_ =	sdelay $0x3  }
0xea: {  	s2 =	sor.u32 $0xC00, s28  }
0xeb: {  	v5 =	vld.idx.msk [tilespmem:v5+s2+$0x0], $0xffff;
	_ =	sdelay $0x1  }
0xec: {  	v6 =	vadd.s32 s0, v2;
	_ =	sdelay $0x3  }
0xed: {  	[tilespmem:s22+$0xFFFFFFE0] =	vst v5  }
0xee: {  	v5 =	vld.idx.msk [tilespmem:v6+s2+$0x0], $0xffff;
	_ =	sdelay $0x1  }
0xef: {  	v6 =	vadd.s32 s0, v3;
	_ =	sdelay $0x3  }
0xf0: {  	[tilespmem:s22+$0xFFFFFFF0] =	vst v5  }
0xf1: {  	v5 =	vld.idx.msk [tilespmem:v6+s2+$0x0], $0xffff;
	_ =	sdelay $0x1  }
0xf2: {  	v6 =	vadd.s32 s0, v4  }
.Ltmp1:
0xf3: {  	(pc) =	sbr.rel @p0 .LBB2_4-.Ltmp1, $3  }
0xf4: {  	_ =	sdelay $0x1  }
0xf5: {  	[tilespmem:s22+$0x0] =	vst v5  }
0xf6: {  	v5 =	vld.idx.msk [tilespmem:v6+s2+$0x0], $0xffff  }
0xf7: {  	_ =	sdelay $0x3  }
0xf8: {  	s0 =	sshra.s32 s25, $0x2;
	[tilespmem:s22+$0x10] =	vst v5  }
0xf9: {  	v5 =	vld [tilespmem:s0+$0x500];
	_ =	sdelay $0x4  }
0xfa: {  	(v2sf) =	vpush v5, $0x0;
	_ =	sdelay $0xe  }
0xfb: {  	s24 =	spop (v2sf)  }
0xfc: {  	p0 =	seq.s32 s24, s23  }
0xfd: {  	s2 =	simm.s32 @!p0 $0x1;
	s23 =	sadd.s32 @!p0 $0x5, s24  }
0xfe: {  	_ =	swait.ge @!p0 [sflag:s2], $0x2000;
	p1 =	slt.s32 @!p0 s23, s21  }
0xff: {  	[sflag:s2] =	ssyncset.done @!p0 $0x0;
	p1 =	por !p1, p0  }
0x100: {  	[sflag:s2] =	ssyncadd.s32 @!p0 $0xFFFFE000;
	s23 =	smov.u32 @p1 s21  }
0x101: {  	v5 =	vld @!p0 [tilespmem:s23+$0x780];
	_ =	sdelay $0x4  }
0x102: {  	(v2sf) =	vpush @!p0 v5, $0x0;
	_ =	sdelay $0x5  }
0x103: {  	s2 =	smulhi.u32 @!p0 $0x2AAAAAAB, s23;
	s25 =	sshra.s32 @!p0 s23, $0x1F  }
0x104: {  	s25 =	smul.u32 @!p0 $0x2AAAAAAB, s25;
	_ =	sdelay $0x1  }
0x105: {  	s2 =	sadd.s32 @!p0 s25, s2  }
0x106: {  	s25 =	sshrl.u32 @!p0 s2, $0x1F  }
0x107: {  	s2 =	sadd.s32 @!p0 s25, s2  }
0x108: {  	s2 =	smul.u32 @!p0 $0x6, s2;
	_ =	sdelay $0x1  }
0x109: {  	s2 =	ssub.s32 @!p0 s23, s2  }
0x10a: {  	s2 =	sshll.u32 @!p0 s2, $0xF;
	s23 =	spop @!p0 (v2sf)  }
0x10b: {  	s26 =	simm.s32 @!p0 $0x7A1400;
	s2 =	sshra.s32 @!p0 s2, $0x2;
	s23 =	sand.u32 @!p0 $0xFFFFF80, s23  }
0x10c: {  	s25 =	simm.s32 @!p0 $0x400;
	s2 =	sor.u32 @!p0 $0xC00, s2;
	s23 =	sadd.s32 @!p0 s1, s23  }
0x10d: {  	[tilespmem:s2], [sflag:$0x1] =	stream.strided.gather @!p0 [hbm4b:s23+s25], $0x2000, s26, s25, $0x38;
	[tilespmem:$0x14C00] =	vst v63  }
0x10e: {  	v5 =	vld [tilespmem:s0+$0x0];
	_ =	sdelay $0x4  }
0x10f: {  	(v2sf) =	vpush v5, $0x0;
	_ =	sdelay $0xd  }
0x110: {  	s29 =	smulhi.u32 $0x2AAAAAAB, s24;
	s30 =	sshra.s32 s24, $0x1F  }
0x111: {  	s2 =	smul.u32 $0x2AAAAAAB, s30;
	s31 =	spop (v2sf)  }
0x112: {  	s26 =	sshra.s32 s31, $0x1F  }
0x113: {  	s0 =	sadd.s32 s2, s29;
	s28 =	sshrl.u32 s26, $0x19  }
0x114: {  	s29 =	sshrl.u32 s0, $0x1F;
	s2 =	sadd.s32 s28, s31  }
0x115: {  	s0 =	sadd.s32 s29, s0;
	s2 =	sand.u32 $0xFFFFFF80, s2  }
0x116: {  	s0 =	smul.u32 $0x6, s0;
	s2 =	ssub.s32 s31, s2  }
0x117: {  	v5 =	vadd.s32 s2, v0  }
0x118: {  	s0 =	ssub.s32 s24, s0  }
0x119: {  	s0 =	sshll.u32 s0, $0xF  }
0x11a: {  	s0 =	sshra.s32 s0, $0x2  }
0x11b: {  	s0 =	sor.u32 $0xC00, s0  }
0x11c: {  	v5 =	vld.idx.msk [tilespmem:v5+s0+$0x0], $0xffff  }
0x11d: {  	v6 =	vadd.s32 s2, v2;
	_ =	sdelay $0x2  }
0x11e: {  	s30 =	sadd.s32 $0x80, s22  }
0x11f: {  	[tilespmem:s30+$0xFFFFFFE0] =	vst v5  }
0x120: {  	v5 =	vld.idx.msk [tilespmem:v6+s0+$0x0], $0xffff  }
0x121: {  	v6 =	vadd.s32 s2, v3;
	_ =	sdelay $0x3  }
0x122: {  	[tilespmem:s30+$0xFFFFFFF0] =	vst v5  }
0x123: {  	v5 =	vld.idx.msk [tilespmem:v6+s0+$0x0], $0xffff  }
0x124: {  	v6 =	vadd.s32 s2, v4;
	_ =	sdelay $0x3  }
0x125: {  	[tilespmem:s30+$0x0] =	vst v5  }
0x126: {  	v5 =	vld.idx.msk [tilespmem:v6+s0+$0x0], $0xffff;
	_ =	sdelay $0x4  }
0x127: {  	[tilespmem:s30+$0x10] =	vst v5  }
0x128: {  	[hbm4b:s4+s16] =	stream.indirect.scatter [tilespmem:s17], [sflag:$0x2], $0x80, s11, s16, $0xb8;
	[tilespmem:$0x14C00] =	vst v63  }
0x129: {  	_ =	swait.ge [sflag:s18], $0x8000  }
0x12a: {  	[sflag:s18] =	ssyncset.done $0x0  }
0x12b: {  	s31 =	simm.s32 $0x0;
	[sflag:s18] =	ssyncadd.s32 $0xFFFF8000  }
0x12c: {  	v5 =	vld [tilespmem:s31+$0x600];
	_ =	sdelay $0x4  }
0x12d: {  	(v2sf) =	vpush v5, $0x0;
	_ =	sdelay $0xe  }
0x12e: {  	s23 =	spop (v2sf)  }
0x12f: {  	p0 =	seq.s32 s23, s24  }
0x130: {  	s2 =	simm.s32 @!p0 $0x1;
	s22 =	sadd.s32 @!p0 $0x5, s23  }
0x131: {  	_ =	swait.ge @!p0 [sflag:s2], $0x2000;
	p1 =	slt.s32 @!p0 s22, s21  }
0x132: {  	[sflag:s2] =	ssyncset.done @!p0 $0x0;
	p1 =	por !p1, p0  }
0x133: {  	[sflag:s2] =	ssyncadd.s32 @!p0 $0xFFFFE000;
	s22 =	smov.u32 @p1 s21  }
0x134: {  	v5 =	vld @!p0 [tilespmem:s22+$0x780];
	_ =	sdelay $0x4  }
0x135: {  	(v2sf) =	vpush @!p0 v5, $0x0;
	_ =	sdelay $0x5  }
0x136: {  	s2 =	smulhi.u32 @!p0 $0x2AAAAAAB, s22;
	s24 =	sshra.s32 @!p0 s22, $0x1F  }
0x137: {  	s24 =	smul.u32 @!p0 $0x2AAAAAAB, s24;
	_ =	sdelay $0x1  }
0x138: {  	s2 =	sadd.s32 @!p0 s24, s2  }
0x139: {  	s24 =	sshrl.u32 @!p0 s2, $0x1F  }
0x13a: {  	s2 =	sadd.s32 @!p0 s24, s2  }
0x13b: {  	s2 =	smul.u32 @!p0 $0x6, s2;
	_ =	sdelay $0x1  }
0x13c: {  	s2 =	ssub.s32 @!p0 s22, s2  }
0x13d: {  	s2 =	sshll.u32 @!p0 s2, $0xF;
	s22 =	spop @!p0 (v2sf)  }
0x13e: {  	s25 =	simm.s32 @!p0 $0x7A1400;
	s2 =	sshra.s32 @!p0 s2, $0x2;
	s22 =	sand.u32 @!p0 $0xFFFFF80, s22  }
0x13f: {  	s24 =	simm.s32 @!p0 $0x400;
	s2 =	sor.u32 @!p0 $0xC00, s2;
	s22 =	sadd.s32 @!p0 s1, s22  }
0x140: {  	[tilespmem:s2], [sflag:$0x1] =	stream.strided.gather @!p0 [hbm4b:s22+s24], $0x2000, s25, s24, $0x38;
	[tilespmem:$0x14C00] =	vst v63  }
0x141: {  	v5 =	vld [tilespmem:s31+$0x100];
	_ =	sdelay $0x4  }
0x142: {  	(v2sf) =	vpush v5, $0x0;
	_ =	sdelay $0xd  }
0x143: {  	s26 =	sshra.s32 s23, $0x1F;
	s25 =	smulhi.u32 $0x2AAAAAAB, s23  }
0x144: {  	s2 =	smul.u32 $0x2AAAAAAB, s26;
	s28 =	spop (v2sf)  }
0x145: {  	s29 =	sshra.s32 s28, $0x1F  }
0x146: {  	s0 =	sadd.s32 s2, s25;
	s30 =	sshrl.u32 s29, $0x19  }
0x147: {  	s31 =	sshrl.u32 s0, $0x1F;
	s2 =	sadd.s32 s30, s28  }
0x148: {  	s0 =	sadd.s32 s31, s0;
	s2 =	sand.u32 $0xFFFFFF80, s2  }
0x149: {  	s0 =	smul.u32 $0x6, s0;
	s2 =	ssub.s32 s28, s2  }
0x14a: {  	v5 =	vadd.s32 s2, v0  }
0x14b: {  	s0 =	ssub.s32 s23, s0  }
0x14c: {  	s0 =	sshll.u32 s0, $0xF  }
0x14d: {  	s0 =	sshra.s32 s0, $0x2  }
0x14e: {  	s0 =	sor.u32 $0xC00, s0  }
0x14f: {  	v5 =	vld.idx.msk [tilespmem:v5+s0+$0x0], $0xffff  }
0x150: {  	v6 =	vadd.s32 s2, v2;
	_ =	sdelay $0x2  }
0x151: {  	s22 =	simm.s32 $0xCC20  }
0x152: {  	[tilespmem:s22+$0xFFFFFFE0] =	vst v5  }
0x153: {  	v5 =	vld.idx.msk [tilespmem:v6+s0+$0x0], $0xffff  }
0x154: {  	v6 =	vadd.s32 s2, v3;
	_ =	sdelay $0x3  }
0x155: {  	[tilespmem:s22+$0xFFFFFFF0] =	vst v5  }
0x156: {  	v5 =	vld.idx.msk [tilespmem:v6+s0+$0x0], $0xffff  }
0x157: {  	v6 =	vadd.s32 s2, v4;
	_ =	sdelay $0x3  }
0x158: {  	[tilespmem:s22+$0x0] =	vst v5  }
0x159: {  	s24 =	simm.s32 $0x8;
	s25 =	simm.s32 $0x4;
	v5 =	vld.idx.msk [tilespmem:v6+s0+$0x0], $0xffff  }
.LBB2_6:
0x15a: {  	_ =	sdelay $0x2  }
0x15b: {  	s26 =	sshra.s32 s25, $0x2  }
0x15c: {  	s25 =	smov.u32 s24;
	s24 =	sadd.s32 $0x4, s24;
	[tilespmem:s22+$0x10] =	vst v5;
	s22 =	sadd.s32 $0x80, s22  }
0x15d: {  	p0 =	sne.s32 s24, $0x400;
	v5 =	vld [tilespmem:s26+$0x600];
	_ =	sdelay $0x4  }
0x15e: {  	(v2sf) =	vpush v5, $0x0;
	_ =	sdelay $0xe  }
0x15f: {  	s0 =	spop (v2sf)  }
0x160: {  	p1 =	seq.s32 s0, s23;
	s2 =	smulhi.u32 $0x2AAAAAAB, s0;
	s23 =	sshra.s32 s0, $0x1F  }
0x161: {  	s28 =	simm.s32 @!p1 $0x1;
	s29 =	sadd.s32 @!p1 $0x5, s0;
	s30 =	smul.u32 $0x2AAAAAAB, s23  }
0x162: {  	s23 =	smov.u32 s0;
	_ =	swait.ge @!p1 [sflag:s28], $0x2000;
	p2 =	slt.s32 @!p1 s29, s21  }
0x163: {  	[sflag:s28] =	ssyncset.done @!p1 $0x0;
	p2 =	por !p2, p1;
	s2 =	sadd.s32 s30, s2  }
0x164: {  	[sflag:s28] =	ssyncadd.s32 @!p1 $0xFFFFE000;
	s29 =	smov.u32 @p2 s21;
	s28 =	sshrl.u32 s2, $0x1F  }
0x165: {  	v5 =	vld @!p1 [tilespmem:s29+$0x780];
	s30 =	smulhi.u32 @!p1 $0x2AAAAAAB, s29;
	s31 =	sshra.s32 @!p1 s29, $0x1F;
	s2 =	sadd.s32 s28, s2  }
0x166: {  	s28 =	smul.u32 @!p1 $0x2AAAAAAB, s31  }
0x167: {  	s2 =	smul.u32 $0x6, s2  }
0x168: {  	s28 =	sadd.s32 @!p1 s28, s30  }
0x169: {  	s0 =	ssub.s32 s0, s2;
	s30 =	sshrl.u32 @!p1 s28, $0x1F  }
0x16a: {  	s0 =	sshll.u32 s0, $0xF;
	s2 =	sadd.s32 @!p1 s30, s28;
	(v2sf) =	vpush @!p1 v5, $0x0  }
0x16b: {  	s28 =	sshra.s32 s0, $0x2;
	s2 =	smul.u32 @!p1 $0x6, s2;
	_ =	sdelay $0x1  }
0x16c: {  	s0 =	ssub.s32 @!p1 s29, s2  }
0x16d: {  	s0 =	sshll.u32 @!p1 s0, $0xF  }
0x16e: {  	s0 =	sshra.s32 @!p1 s0, $0x2  }
0x16f: {  	s0 =	sor.u32 @!p1 $0xC00, s0;
	_ =	sdelay $0x8  }
0x170: {  	s2 =	spop @!p1 (v2sf)  }
0x171: {  	s2 =	sand.u32 @!p1 $0xFFFFF80, s2  }
0x172: {  	s30 =	simm.s32 @!p1 $0x7A1400;
	s29 =	simm.s32 @!p1 $0x400;
	s2 =	sadd.s32 @!p1 s1, s2  }
0x173: {  	[tilespmem:s0], [sflag:$0x1] =	stream.strided.gather @!p1 [hbm4b:s2+s29], $0x2000, s30, s29, $0x38;
	[tilespmem:$0x14C00] =	vst v63  }
0x174: {  	v5 =	vld [tilespmem:s26+$0x100];
	_ =	sdelay $0x4  }
0x175: {  	(v2sf) =	vpush v5, $0x0;
	_ =	sdelay $0xe  }
0x176: {  	s0 =	spop (v2sf)  }
0x177: {  	s2 =	sshra.s32 s0, $0x1F  }
0x178: {  	s2 =	sshrl.u32 s2, $0x19  }
0x179: {  	s2 =	sadd.s32 s2, s0  }
0x17a: {  	s2 =	sand.u32 $0xFFFFFF80, s2  }
0x17b: {  	s0 =	ssub.s32 s0, s2  }
0x17c: {  	v5 =	vadd.s32 s0, v0;
	_ =	sdelay $0x3  }
0x17d: {  	s2 =	sor.u32 $0xC00, s28  }
0x17e: {  	v5 =	vld.idx.msk [tilespmem:v5+s2+$0x0], $0xffff;
	_ =	sdelay $0x1  }
0x17f: {  	v6 =	vadd.s32 s0, v2;
	_ =	sdelay $0x3  }
0x180: {  	[tilespmem:s22+$0xFFFFFFE0] =	vst v5  }
0x181: {  	v5 =	vld.idx.msk [tilespmem:v6+s2+$0x0], $0xffff;
	_ =	sdelay $0x1  }
0x182: {  	v6 =	vadd.s32 s0, v3;
	_ =	sdelay $0x3  }
0x183: {  	[tilespmem:s22+$0xFFFFFFF0] =	vst v5  }
0x184: {  	v5 =	vld.idx.msk [tilespmem:v6+s2+$0x0], $0xffff;
	_ =	sdelay $0x1  }
0x185: {  	v6 =	vadd.s32 s0, v4  }
.Ltmp2:
0x186: {  	(pc) =	sbr.rel @p0 .LBB2_6-.Ltmp2, $3  }
0x187: {  	_ =	sdelay $0x1  }
0x188: {  	[tilespmem:s22+$0x0] =	vst v5  }
0x189: {  	v5 =	vld.idx.msk [tilespmem:v6+s2+$0x0], $0xffff  }
0x18a: {  	_ =	sdelay $0x3  }
0x18b: {  	s0 =	sshra.s32 s25, $0x2;
	[tilespmem:s22+$0x10] =	vst v5  }
0x18c: {  	v5 =	vld [tilespmem:s0+$0x600];
	_ =	sdelay $0x4  }
0x18d: {  	(v2sf) =	vpush v5, $0x0;
	_ =	sdelay $0xe  }
0x18e: {  	s2 =	spop (v2sf)  }
0x18f: {  	p0 =	seq.s32 s2, s23  }
0x190: {  	s23 =	simm.s32 @!p0 $0x1;
	s24 =	sadd.s32 @!p0 $0x5, s2  }
0x191: {  	_ =	swait.ge @!p0 [sflag:s23], $0x2000;
	p1 =	slt.s32 @!p0 s24, s21  }
0x192: {  	[sflag:s23] =	ssyncset.done @!p0 $0x0;
	p1 =	por !p1, p0  }
0x193: {  	[sflag:s23] =	ssyncadd.s32 @!p0 $0xFFFFE000;
	s24 =	smov.u32 @p1 s21  }
0x194: {  	v5 =	vld @!p0 [tilespmem:s24+$0x780];
	_ =	sdelay $0x4  }
0x195: {  	(v2sf) =	vpush @!p0 v5, $0x0;
	_ =	sdelay $0x5  }
0x196: {  	s21 =	smulhi.u32 @!p0 $0x2AAAAAAB, s24;
	s23 =	sshra.s32 @!p0 s24, $0x1F  }
0x197: {  	s23 =	smul.u32 @!p0 $0x2AAAAAAB, s23;
	_ =	sdelay $0x1  }
0x198: {  	s21 =	sadd.s32 @!p0 s23, s21  }
0x199: {  	s23 =	sshrl.u32 @!p0 s21, $0x1F  }
0x19a: {  	s21 =	sadd.s32 @!p0 s23, s21  }
0x19b: {  	s21 =	smul.u32 @!p0 $0x6, s21;
	_ =	sdelay $0x1  }
0x19c: {  	s21 =	ssub.s32 @!p0 s24, s21  }
0x19d: {  	s21 =	sshll.u32 @!p0 s21, $0xF;
	s23 =	spop @!p0 (v2sf)  }
0x19e: {  	s25 =	simm.s32 @!p0 $0x7A1400;
	s21 =	sshra.s32 @!p0 s21, $0x2;
	s23 =	sand.u32 @!p0 $0xFFFFF80, s23  }
0x19f: {  	s24 =	simm.s32 @!p0 $0x400;
	s21 =	sor.u32 @!p0 $0xC00, s21;
	s23 =	sadd.s32 @!p0 s1, s23  }
0x1a0: {  	[tilespmem:s21], [sflag:$0x1] =	stream.strided.gather @!p0 [hbm4b:s23+s24], $0x2000, s25, s24, $0x38;
	[tilespmem:$0x14C00] =	vst v63  }
0x1a1: {  	v5 =	vld [tilespmem:s0+$0x100];
	_ =	sdelay $0x4  }
0x1a2: {  	(v2sf) =	vpush v5, $0x0;
	_ =	sdelay $0xd  }
0x1a3: {  	s24 =	smulhi.u32 $0x2AAAAAAB, s2;
	s25 =	sshra.s32 s2, $0x1F  }
0x1a4: {  	s21 =	smul.u32 $0x2AAAAAAB, s25;
	s26 =	spop (v2sf)  }
0x1a5: {  	s28 =	sshra.s32 s26, $0x1F  }
0x1a6: {  	s0 =	sadd.s32 s21, s24;
	s29 =	sshrl.u32 s28, $0x19  }
0x1a7: {  	s30 =	sshrl.u32 s0, $0x1F;
	s21 =	sadd.s32 s29, s26  }
0x1a8: {  	s0 =	sadd.s32 s30, s0;
	s21 =	sand.u32 $0xFFFFFF80, s21  }
0x1a9: {  	s0 =	smul.u32 $0x6, s0;
	s21 =	ssub.s32 s26, s21  }
0x1aa: {  	v5 =	vadd.s32 s21, v0  }
0x1ab: {  	s0 =	ssub.s32 s2, s0  }
0x1ac: {  	s0 =	sshll.u32 s0, $0xF  }
0x1ad: {  	s0 =	sshra.s32 s0, $0x2  }
0x1ae: {  	s0 =	sor.u32 $0xC00, s0  }
0x1af: {  	v5 =	vld.idx.msk [tilespmem:v5+s0+$0x0], $0xffff  }
0x1b0: {  	v6 =	vadd.s32 s21, v2;
	_ =	sdelay $0x2  }
0x1b1: {  	s31 =	sadd.s32 $0x80, s22  }
0x1b2: {  	[tilespmem:s31+$0xFFFFFFE0] =	vst v5  }
0x1b3: {  	v5 =	vld.idx.msk [tilespmem:v6+s0+$0x0], $0xffff  }
0x1b4: {  	v6 =	vadd.s32 s21, v3;
	_ =	sdelay $0x3  }
0x1b5: {  	[tilespmem:s31+$0xFFFFFFF0] =	vst v5  }
0x1b6: {  	v5 =	vld.idx.msk [tilespmem:v6+s0+$0x0], $0xffff  }
0x1b7: {  	v6 =	vadd.s32 s21, v4;
	_ =	sdelay $0x3  }
0x1b8: {  	[tilespmem:s31+$0x0] =	vst v5  }
0x1b9: {  	v5 =	vld.idx.msk [tilespmem:v6+s0+$0x0], $0xffff;
	_ =	sdelay $0x4  }
0x1ba: {  	[tilespmem:s31+$0x10] =	vst v5  }
0x1bb: {  	[hbm4b:s4+s16] =	stream.indirect.scatter [tilespmem:s17], [sflag:$0x2], $0x80, s12, s16, $0xb8;
	[tilespmem:$0x14C00] =	vst v63  }
0x1bc: {  	_ =	swait.ge [sflag:s18], $0x8000  }
0x1bd: {  	[sflag:s18] =	ssyncset.done $0x0  }
0x1be: {  	[sflag:s18] =	ssyncadd.s32 $0xFFFF8000  }
0x1bf: {  	_ =	swait.ge [sflag:s19], $0x2000  }
0x1c0: {  	[sflag:s19] =	ssyncset.done $0x0  }
0x1c1: {  	[sflag:s19] =	ssyncadd.s32 $0xFFFFE000  }
0x1c2: {  	_ =	swait.ge [sflag:s19], $0x2000  }
0x1c3: {  	[sflag:s19] =	ssyncset.done $0x0  }
0x1c4: {  	[sflag:s19] =	ssyncadd.s32 $0xFFFFE000  }
0x1c5: {  	_ =	swait.ge [sflag:s19], $0x2000  }
0x1c6: {  	[sflag:s19] =	ssyncset.done $0x0  }
0x1c7: {  	s20 =	sadd.s32 $0x1, s20;
	[sflag:s19] =	ssyncadd.s32 $0xFFFFE000  }
0x1c8: {  	p0 =	sne.s32 s20, s8;
	_ =	swait.ge [sflag:s19], $0x2000  }
.Ltmp3:
0x1c9: {  	[sflag:s19] =	ssyncset.done $0x0;
	(pc) =	sbr.rel @p0 .LBB2_1-.Ltmp3, $4  }
0x1ca: {  	[sflag:s19] =	ssyncadd.s32 $0xFFFFE000  }
0x1cb: {  	_ =	swait.ge [sflag:s19], $0x2000  }
0x1cc: {  	[sflag:s19] =	ssyncset.done $0x0  }
0x1cd: {  	[sflag:s19] =	ssyncadd.s32 $0xFFFFE000  }
0x1ce: {  	_ =	sfence.sel $0x180000  }
0x1cf: {  	[bflag:$0x0] =	sbarrier.arrive $0xFFFF  }
0x1d0: {  	_ =	strace $0x9000004A  }
0x1d1: {  	s0 =	stileid.u32;
	[bflag:$0x2] =	sbarrier.arrive $0xFFFF  }
0x1d2: {  	p0 =	sne.s32 s0, $0x0;
	s0 =	rddreg [dreg:$0x3]  }
0x1d3: {  	s0 =	sadd.s32 @!p0 $0x100000, s0  }
0x1d4: {  	[sflag:s0] =	ssyncadd.tile.s32 @!p0 $0x1;
	_ =	shalt  }
.Lfunc_end2:
_tile_overlayer_lowered:
.L_overlay_start_2:
0x1d5: {  	(tag) =	ssettag $0x2  }
0x1d6: {  	s0 =	rddreg [dreg:$0x0];
	s2 =	stileid.u32  }
0x1d7: {  	s1 =	rddreg [dreg:$0x1];
	p0 =	sne.s32 s2, $0x0  }
0x1d8: {  	s3 =	rddreg [dreg:$0x2];
	[bflag:$0x3] =	sbarrier.arrive $0xFFFF;
	s2 =	simm.s32 @!p0 $0x1C03  }
0x1d9: {  	[timem:s3], [sflag:s2] =	dma.local @!p0 [hbm:s0], s1  }
0x1da: {  	s0 =	simm.s32 @!p0 $0x3  }
0x1db: {  	_ =	swait.ge @!p0 [sflag:s0], s1  }
0x1dc: {  	s1 =	ssub.s32 @!p0 $0x0, s1;
	[sflag:s0] =	ssyncset.done @!p0 $0x0  }
0x1dd: {  	[sflag:s0] =	ssyncadd.s32 @!p0 s1  }
0x1de: {  	[bflag:$0x3] =	sbarrier.arrive $0xFFFF  }
0x1df: {  	_ =	shalt  }

</sc_bundles>
